<compile_context>
chip_gen: v7x
topology: tpu7x:2x2x1
jax: 0.10.2.dev20260603
libtpu: 0.0.44.dev20260713+nightly
codegen_flags: <defaults>
</compile_context>

<pallas_src>
import functools

import jax
import jax.numpy as jnp
from jax import lax
from jax.experimental import pallas as pl
from jax.experimental.pallas import tpu as pltpu
from jax.experimental.pallas import tpu_sc as plsc

N = 160000
D = 256
NB = 96
DUMP = 93
CH = 128
NS = 16
NC = 2
COLS = D // NC
RPT = 8
NFT = NB // RPT
L = 16
NK = 68
TROWS = NK * CH
ROWS_SC = NS * TROWS
ROWS_TC = N - ROWS_SC
CT = 256
GT = ROWS_TC // CT
BPG = 8


def _sc_segment_sum(features, labels):
    mesh = plsc.VectorSubcoreMesh(core_axis_name="c", subcore_axis_name="s")

    @functools.partial(
        pl.kernel,
        out_type=jax.ShapeDtypeStruct((NB, D), jnp.float32),
        mesh=mesh,
        scratch_types=[
            pltpu.VMEM((CH, COLS), jnp.float32),
            pltpu.VMEM((CH, COLS), jnp.float32),
            pltpu.VMEM((CH, COLS), jnp.float32),
            pltpu.VMEM((CH, COLS), jnp.float32),
            pltpu.VMEM((TROWS,), jnp.int32),
            pltpu.VMEM((RPT, COLS), jnp.float32),
            pltpu.VMEM_SHARED((NB, COLS), jnp.float32),
            pltpu.SemaphoreType.DMA,
            pltpu.SemaphoreType.DMA,
            pltpu.SemaphoreType.DMA,
            pltpu.SemaphoreType.DMA,
            pltpu.SemaphoreType.DMA,
            pltpu.SemaphoreType.DMA,
            pltpu.SemaphoreType.DMA,
            pltpu.SemaphoreType.DMA,
            pltpu.SemaphoreType.DMA,
        ],
    )
    def body(feat_hbm, lab_hbm, out_hbm, f0, f1, f2, f3, lab_all,
             tmp, accum, sf0, sf1, sf2, sf3, ss0, ss1, ss2, ss3, sl):
        cid = lax.axis_index("c")
        sid = lax.axis_index("s")
        col0 = pl.multiple_of(cid * COLS, COLS)
        r0 = pl.multiple_of(sid * RPT, RPT)
        tbase = pl.multiple_of(sid * TROWS, CH)

        zero16 = jnp.zeros((L,), jnp.float32)
        for i in range(RPT):
            for k in range(COLS // L):
                tmp[i, pl.ds(k * L, L)] = zero16

        @pl.when(sid < NFT)
        def _init():
            pltpu.sync_copy(tmp, accum.at[pl.ds(r0, RPT), :])

        pltpu.async_copy(lab_hbm.at[pl.ds(tbase, TROWS)], lab_all, sl)

        plsc.subcore_barrier()
        pltpu.make_async_copy(lab_hbm.at[pl.ds(tbase, TROWS)], lab_all,
                              sl).wait()

        def remap(i, carry):
            v = lab_all[pl.ds(i * L, L)]
            ids = v - 3
            ids = jnp.where((ids < 0) | (ids > DUMP - 1), DUMP, ids)
            lab_all[pl.ds(i * L, L)] = ids
            return carry

        lax.fori_loop(0, TROWS // L, remap, 0)

        def feat_src(k):
            base = pl.multiple_of((sid * NK + k) * CH, CH)
            return feat_hbm.at[pl.ds(base, CH), pl.ds(col0, COLS)]

        def issue_in(k, fb, sf):
            pltpu.async_copy(feat_src(k), fb, sf)

        def wait_in(k, fb, sf):
            pltpu.make_async_copy(feat_src(k), fb, sf).wait()

        def ids_at(k):
            return lab_all.at[pl.ds(k * CH, CH)]

        def issue_sc(fb, k, ss):
            pltpu.async_copy(fb, accum.at[ids_at(k)], ss, add=True)

        def wait_sc(fb, k, ss):
            pltpu.make_async_copy(fb, accum.at[ids_at(k)], ss).wait()

        issue_in(0, f0, sf0)
        issue_in(1, f1, sf1)
        issue_in(2, f2, sf2)
        issue_in(3, f3, sf3)

        def quadbody(kk, carry):
            k = 4 * kk
            wait_in(k, f0, sf0)
            issue_sc(f0, k, ss0)
            wait_in(k + 1, f1, sf1)
            issue_sc(f1, k + 1, ss1)
            wait_in(k + 2, f2, sf2)
            issue_sc(f2, k + 2, ss2)
            wait_in(k + 3, f3, sf3)
            issue_sc(f3, k + 3, ss3)
            wait_sc(f0, k, ss0)
            issue_in(k + 4, f0, sf0)
            wait_sc(f1, k + 1, ss1)
            issue_in(k + 5, f1, sf1)
            wait_sc(f2, k + 2, ss2)
            issue_in(k + 6, f2, sf2)
            wait_sc(f3, k + 3, ss3)
            issue_in(k + 7, f3, sf3)
            return carry

        lax.fori_loop(0, (NK - 4) // 4, quadbody, 0)
        wait_in(NK - 4, f0, sf0)
        issue_sc(f0, NK - 4, ss0)
        wait_in(NK - 3, f1, sf1)
        issue_sc(f1, NK - 3, ss1)
        wait_in(NK - 2, f2, sf2)
        issue_sc(f2, NK - 2, ss2)
        wait_in(NK - 1, f3, sf3)
        issue_sc(f3, NK - 1, ss3)
        wait_sc(f0, NK - 4, ss0)
        wait_sc(f1, NK - 3, ss1)
        wait_sc(f2, NK - 2, ss2)
        wait_sc(f3, NK - 1, ss3)

        plsc.subcore_barrier()

        @pl.when(sid < NFT)
        def _finalize():
            pltpu.sync_copy(accum.at[pl.ds(r0, RPT), :],
                            out_hbm.at[pl.ds(r0, RPT), pl.ds(col0, COLS)])

    return body(features, labels)


def _histo_kernel(lab_ref, out_ref):
    g = pl.program_id(0)
    lab = lab_ref[...]
    rows = []
    for i in range(BPG):
        b = g * BPG + i
        cnt = jnp.sum((lab == (b + 3)).astype(jnp.float32))
        rows.append(jnp.full((D,), cnt, jnp.float32))
    out_ref[...] = jnp.stack(rows, axis=0)


def _tc_histogram(labels2d):
    return pl.pallas_call(
        _histo_kernel,
        grid=(NB // BPG,),
        in_specs=[pl.BlockSpec(labels2d.shape, lambda g: (0, 0))],
        out_specs=pl.BlockSpec((BPG, D), lambda g: (g, 0)),
        out_shape=jax.ShapeDtypeStruct((NB, D), jnp.float32),
    )(labels2d)


def _psum_kernel(lab_ref, feat_ref, out_ref):
    lab = lab_ref[...]
    feat = feat_ref[...]
    buckets = lax.broadcasted_iota(jnp.int32, (NB, CT), 0) + 3
    onehot = (buckets == lab).astype(jnp.float32)
    part = jax.lax.dot_general(
        onehot, feat, (((1,), (0,)), ((), ())),
        precision=lax.Precision.HIGHEST,
        preferred_element_type=jnp.float32)

    @pl.when(pl.program_id(0) == 0)
    def _():
        out_ref[...] = jnp.zeros_like(out_ref)

    out_ref[...] += part


def _tc_partial_sum(features, labels2d):
    return pl.pallas_call(
        _psum_kernel,
        grid=(GT,),
        in_specs=[
            pl.BlockSpec((1, CT), lambda g: (0, ROWS_SC // CT + g)),
            pl.BlockSpec((CT, D), lambda g: (ROWS_SC // CT + g, 0)),
        ],
        out_specs=pl.BlockSpec((NB, D), lambda g: (0, 0)),
        out_shape=jax.ShapeDtypeStruct((NB, D), jnp.float32),
    )(labels2d, features)


def _div_kernel(sum_ref, sum2_ref, cnt_ref, out_ref):
    s = sum_ref[...] + sum2_ref[...]
    c = cnt_ref[...]
    out_ref[...] = jnp.where(c > 0.0, s / jnp.where(c > 0.0, c, 1.0), 0.0)


def _tc_divide(sums, sums2, cnts):
    return pl.pallas_call(
        _div_kernel,
        in_specs=[pl.BlockSpec(sums.shape, lambda: (0, 0)),
                  pl.BlockSpec(sums2.shape, lambda: (0, 0)),
                  pl.BlockSpec(cnts.shape, lambda: (0, 0))],
        out_specs=pl.BlockSpec(sums.shape, lambda: (0, 0)),
        out_shape=jax.ShapeDtypeStruct(sums.shape, jnp.float32),
    )(sums, sums2, cnts)


def kernel(features, labels):
    sums_sc = _sc_segment_sum(features, labels)
    sums_tc = _tc_partial_sum(features, labels.reshape(1, N))
    cnts = _tc_histogram(labels.reshape(N // CH, CH))
    center = _tc_divide(sums_sc, sums_tc, cnts)
    return center[:DUMP]

# --- scband reference (transcript-rebuilt; emitter-appended) ---
"""Pipeline reference for scband-feature-center-85770496901143 (READ-ONLY COPY).

The authoritative reference and input builder live on the scoring server;
editing this copy changes nothing except your own understanding.
"""

import jax, jax.numpy as jnp
import numpy as np

BUCKET_START = 3
BUCKET_END = 96
FEATURE_DIM = 256
N = 160000


def setup_inputs(seed: int = 0) -> dict:
    key = jax.random.key(seed)
    k1, k2 = jax.random.split(key)
    features = jax.random.normal(k1, (N, FEATURE_DIM), dtype=jnp.float32)
    labels = jax.random.randint(k2, (N,), 0, 96, dtype=jnp.int32)
    return {"features": features, "labels": labels}


def reference(features, labels):
    # Faithful translation of FeatureCenter.update_running_stats:
    # curr_feature_center = nan_to_num(vstack([features[labels == i + bucket_start].mean(0)
    #                                          for i in range(bucket_end - bucket_start)]))
    # Implemented as a segment mean over buckets [bucket_start, bucket_end).
    n_buckets = BUCKET_END - BUCKET_START
    ids = labels - BUCKET_START
    valid = ids >= 0  # labels < bucket_start match no bucket in the torch loop
    w = valid.astype(features.dtype)
    ids_safe = jnp.where(valid, ids, 0)
    sums = jax.ops.segment_sum(features * w[:, None], ids_safe, num_segments=n_buckets)
    counts = jax.ops.segment_sum(w, ids_safe, num_segments=n_buckets)
    center = sums / counts[:, None]  # empty buckets -> 0/0 = nan, like torch mean of empty slice
    return jnp.nan_to_num(center)

if __name__ == "__main__":
    import jax
    _d = setup_inputs()
    print(jax.jit(kernel)(*tuple(_d.values())))

</pallas_src>

<mosaic_0001>
#map = affine_map<(d0, d1) -> (0, 0)>
#map1 = affine_map<(d0, d1) -> (0)>
module attributes {stable_mosaic.version = 14 : i64} {
  func.func @body(%arg0: i32, %arg1: i32, %arg2: memref<160000x256xf32, #tpu.memory_space<hbm>>, %arg3: memref<160000xi32, #tpu.memory_space<hbm>>, %arg4: memref<96x256xf32, #tpu.memory_space<hbm>>, %arg5: memref<128x128xf32, #tpu.memory_space<vmem>>, %arg6: memref<128x128xf32, #tpu.memory_space<vmem>>, %arg7: memref<128x128xf32, #tpu.memory_space<vmem>>, %arg8: memref<128x128xf32, #tpu.memory_space<vmem>>, %arg9: memref<8704xi32, #tpu.memory_space<vmem>>, %arg10: memref<8x128xf32, #tpu.memory_space<vmem>>, %arg11: memref<96x128xf32, #tpu.memory_space<vmem_shared>>, %arg12: memref<!tpu.dma_semaphore, #tpu.memory_space<semaphore_mem>>, %arg13: memref<!tpu.dma_semaphore, #tpu.memory_space<semaphore_mem>>, %arg14: memref<!tpu.dma_semaphore, #tpu.memory_space<semaphore_mem>>, %arg15: memref<!tpu.dma_semaphore, #tpu.memory_space<semaphore_mem>>, %arg16: memref<!tpu.dma_semaphore, #tpu.memory_space<semaphore_mem>>, %arg17: memref<!tpu.dma_semaphore, #tpu.memory_space<semaphore_mem>>, %arg18: memref<!tpu.dma_semaphore, #tpu.memory_space<semaphore_mem>>, %arg19: memref<!tpu.dma_semaphore, #tpu.memory_space<semaphore_mem>>, %arg20: memref<!tpu.dma_semaphore, #tpu.memory_space<semaphore_mem>>) attributes {dimension_semantics = [#tpu.dimension_semantics<core_parallel>, #tpu.dimension_semantics<subcore_parallel>], iteration_bounds = array<i64: 2, 16>, scalar_prefetch = 0 : i64, scratch_operands = 16 : i64, tpu.core_type = #tpu.core_type<sc_vector_subcore>, window_params = [{transform_indices = #map}, {transform_indices = #map1}, {transform_indices = #map}]} {
    %mul3A = arith.constant 128 : i32
    %mul3A_0 = arith.muli %arg0, %mul3A : i32
    %multiple_of3A = tpu.assume_multiple %mul3A_0, 128 : i32
    %mul3A_1 = arith.constant 8 : i32
    %mul3A_2 = arith.muli %arg1, %mul3A_1 : i32
    %multiple_of3A_3 = tpu.assume_multiple %mul3A_2, 8 : i32
    %mul3A_4 = arith.constant 8704 : i32
    %mul3A_5 = arith.muli %arg1, %mul3A_4 : i32
    %multiple_of3A_6 = tpu.assume_multiple %mul3A_5, 128 : i32
    %broadcast_in_dim3A = arith.constant 0.000000e+00 : f32
    %broadcast_in_dim3A_7 = vector.broadcast %broadcast_in_dim3A : f32 to vector<16xf32>
    %swap3A = arith.constant 0 : i32
    %swap3A_8 = arith.index_cast %swap3A : i32 to index
    %swap3A_9 = arith.constant 0 : index
    %swap3A_10 = tpu.vector_load %arg10[%swap3A_8, %swap3A_9] {strides = array<i32>} : memref<8x128xf32, #tpu.memory_space<vmem>>, vector<1x16xf32>,
    %swap3A_11 = vector.shape_cast %swap3A_10 : vector<1x16xf32> to vector<16xf32>
    %swap3A_12 = vector.shape_cast %broadcast_in_dim3A_7 : vector<16xf32> to vector<1x16xf32>
    tpu.vector_store %arg10[%swap3A_8, %swap3A_9], %swap3A_12 {strides = array<i32>} : memref<8x128xf32, #tpu.memory_space<vmem>>, vector<1x16xf32>,
    %swap3A_13 = arith.constant 0 : i32
    %swap3A_14 = arith.index_cast %swap3A_13 : i32 to index
    %swap3A_15 = arith.constant 16 : index
    %swap3A_16 = tpu.vector_load %arg10[%swap3A_14, %swap3A_15] {strides = array<i32>} : memref<8x128xf32, #tpu.memory_space<vmem>>, vector<1x16xf32>,
    %swap3A_17 = vector.shape_cast %swap3A_16 : vector<1x16xf32> to vector<16xf32>
    %swap3A_18 = vector.shape_cast %broadcast_in_dim3A_7 : vector<16xf32> to vector<1x16xf32>
    tpu.vector_store %arg10[%swap3A_14, %swap3A_15], %swap3A_18 {strides = array<i32>} : memref<8x128xf32, #tpu.memory_space<vmem>>, vector<1x16xf32>,
    %swap3A_19 = arith.constant 0 : i32
    %swap3A_20 = arith.index_cast %swap3A_19 : i32 to index
    %swap3A_21 = arith.constant 32 : index
    %swap3A_22 = tpu.vector_load %arg10[%swap3A_20, %swap3A_21] {strides = array<i32>} : memref<8x128xf32, #tpu.memory_space<vmem>>, vector<1x16xf32>,
    %swap3A_23 = vector.shape_cast %swap3A_22 : vector<1x16xf32> to vector<16xf32>
    %swap3A_24 = vector.shape_cast %broadcast_in_dim3A_7 : vector<16xf32> to vector<1x16xf32>
    tpu.vector_store %arg10[%swap3A_20, %swap3A_21], %swap3A_24 {strides = array<i32>} : memref<8x128xf32, #tpu.memory_space<vmem>>, vector<1x16xf32>,
    %swap3A_25 = arith.constant 0 : i32
    %swap3A_26 = arith.index_cast %swap3A_25 : i32 to index
    %swap3A_27 = arith.constant 48 : index
    %swap3A_28 = tpu.vector_load %arg10[%swap3A_26, %swap3A_27] {strides = array<i32>} : memref<8x128xf32, #tpu.memory_space<vmem>>, vector<1x16xf32>,
    %swap3A_29 = vector.shape_cast %swap3A_28 : vector<1x16xf32> to vector<16xf32>
    %swap3A_30 = vector.shape_cast %broadcast_in_dim3A_7 : vector<16xf32> to vector<1x16xf32>
    tpu.vector_store %arg10[%swap3A_26, %swap3A_27], %swap3A_30 {strides = array<i32>} : memref<8x128xf32, #tpu.memory_space<vmem>>, vector<1x16xf32>,
    %swap3A_31 = arith.constant 0 : i32
    %swap3A_32 = arith.index_cast %swap3A_31 : i32 to index
    %swap3A_33 = arith.constant 64 : index
    %swap3A_34 = tpu.vector_load %arg10[%swap3A_32, %swap3A_33] {strides = array<i32>} : memref<8x128xf32, #tpu.memory_space<vmem>>, vector<1x16xf32>,
    %swap3A_35 = vector.shape_cast %swap3A_34 : vector<1x16xf32> to vector<16xf32>
    %swap3A_36 = vector.shape_cast %broadcast_in_dim3A_7 : vector<16xf32> to vector<1x16xf32>
    tpu.vector_store %arg10[%swap3A_32, %swap3A_33], %swap3A_36 {strides = array<i32>} : memref<8x128xf32, #tpu.memory_space<vmem>>, vector<1x16xf32>,
    %swap3A_37 = arith.constant 0 : i32
    %swap3A_38 = arith.index_cast %swap3A_37 : i32 to index
    %swap3A_39 = arith.constant 80 : index
    %swap3A_40 = tpu.vector_load %arg10[%swap3A_38, %swap3A_39] {strides = array<i32>} : memref<8x128xf32, #tpu.memory_space<vmem>>, vector<1x16xf32>,
    %swap3A_41 = vector.shape_cast %swap3A_40 : vector<1x16xf32> to vector<16xf32>
    %swap3A_42 = vector.shape_cast %broadcast_in_dim3A_7 : vector<16xf32> to vector<1x16xf32>
    tpu.vector_store %arg10[%swap3A_38, %swap3A_39], %swap3A_42 {strides = array<i32>} : memref<8x128xf32, #tpu.memory_space<vmem>>, vector<1x16xf32>,
    %swap3A_43 = arith.constant 0 : i32
    %swap3A_44 = arith.index_cast %swap3A_43 : i32 to index
    %swap3A_45 = arith.constant 96 : index
    %swap3A_46 = tpu.vector_load %arg10[%swap3A_44, %swap3A_45] {strides = array<i32>} : memref<8x128xf32, #tpu.memory_space<vmem>>, vector<1x16xf32>,
    %swap3A_47 = vector.shape_cast %swap3A_46 : vector<1x16xf32> to vector<16xf32>
    %swap3A_48 = vector.shape_cast %broadcast_in_dim3A_7 : vector<16xf32> to vector<1x16xf32>
    tpu.vector_store %arg10[%swap3A_44, %swap3A_45], %swap3A_48 {strides = array<i32>} : memref<8x128xf32, #tpu.memory_space<vmem>>, vector<1x16xf32>,
    %swap3A_49 = arith.constant 0 : i32
    %swap3A_50 = arith.index_cast %swap3A_49 : i32 to index
    %swap3A_51 = arith.constant 112 : index
    %swap3A_52 = tpu.vector_load %arg10[%swap3A_50, %swap3A_51] {strides = array<i32>} : memref<8x128xf32, #tpu.memory_space<vmem>>, vector<1x16xf32>,
    %swap3A_53 = vector.shape_cast %swap3A_52 : vector<1x16xf32> to vector<16xf32>
    %swap3A_54 = vector.shape_cast %broadcast_in_dim3A_7 : vector<16xf32> to vector<1x16xf32>
    tpu.vector_store %arg10[%swap3A_50, %swap3A_51], %swap3A_54 {strides = array<i32>} : memref<8x128xf32, #tpu.memory_space<vmem>>, vector<1x16xf32>,
    %swap3A_55 = arith.constant 1 : i32
    %swap3A_56 = arith.index_cast %swap3A_55 : i32 to index
    %swap3A_57 = arith.constant 0 : index
    %swap3A_58 = tpu.vector_load %arg10[%swap3A_56, %swap3A_57] {strides = array<i32>} : memref<8x128xf32, #tpu.memory_space<vmem>>, vector<1x16xf32>,
    %swap3A_59 = vector.shape_cast %swap3A_58 : vector<1x16xf32> to vector<16xf32>
    %swap3A_60 = vector.shape_cast %broadcast_in_dim3A_7 : vector<16xf32> to vector<1x16xf32>
    tpu.vector_store %arg10[%swap3A_56, %swap3A_57], %swap3A_60 {strides = array<i32>} : memref<8x128xf32, #tpu.memory_space<vmem>>, vector<1x16xf32>,
    %swap3A_61 = arith.constant 1 : i32
    %swap3A_62 = arith.index_cast %swap3A_61 : i32 to index
    %swap3A_63 = arith.constant 16 : index
    %swap3A_64 = tpu.vector_load %arg10[%swap3A_62, %swap3A_63] {strides = array<i32>} : memref<8x128xf32, #tpu.memory_space<vmem>>, vector<1x16xf32>,
    %swap3A_65 = vector.shape_cast %swap3A_64 : vector<1x16xf32> to vector<16xf32>
    %swap3A_66 = vector.shape_cast %broadcast_in_dim3A_7 : vector<16xf32> to vector<1x16xf32>
    tpu.vector_store %arg10[%swap3A_62, %swap3A_63], %swap3A_66 {strides = array<i32>} : memref<8x128xf32, #tpu.memory_space<vmem>>, vector<1x16xf32>,
    %swap3A_67 = arith.constant 1 : i32
    %swap3A_68 = arith.index_cast %swap3A_67 : i32 to index
    %swap3A_69 = arith.constant 32 : index
    %swap3A_70 = tpu.vector_load %arg10[%swap3A_68, %swap3A_69] {strides = array<i32>} : memref<8x128xf32, #tpu.memory_space<vmem>>, vector<1x16xf32>,
    %swap3A_71 = vector.shape_cast %swap3A_70 : vector<1x16xf32> to vector<16xf32>
    %swap3A_72 = vector.shape_cast %broadcast_in_dim3A_7 : vector<16xf32> to vector<1x16xf32>
    tpu.vector_store %arg10[%swap3A_68, %swap3A_69], %swap3A_72 {strides = array<i32>} : memref<8x128xf32, #tpu.memory_space<vmem>>, vector<1x16xf32>,
    %swap3A_73 = arith.constant 1 : i32
    %swap3A_74 = arith.index_cast %swap3A_73 : i32 to index
    %swap3A_75 = arith.constant 48 : index
    %swap3A_76 = tpu.vector_load %arg10[%swap3A_74, %swap3A_75] {strides = array<i32>} : memref<8x128xf32, #tpu.memory_space<vmem>>, vector<1x16xf32>,
    %swap3A_77 = vector.shape_cast %swap3A_76 : vector<1x16xf32> to vector<16xf32>
    %swap3A_78 = vector.shape_cast %broadcast_in_dim3A_7 : vector<16xf32> to vector<1x16xf32>
    tpu.vector_store %arg10[%swap3A_74, %swap3A_75], %swap3A_78 {strides = array<i32>} : memref<8x128xf32, #tpu.memory_space<vmem>>, vector<1x16xf32>,
    %swap3A_79 = arith.constant 1 : i32
    %swap3A_80 = arith.index_cast %swap3A_79 : i32 to index
    %swap3A_81 = arith.constant 64 : index
    %swap3A_82 = tpu.vector_load %arg10[%swap3A_80, %swap3A_81] {strides = array<i32>} : memref<8x128xf32, #tpu.memory_space<vmem>>, vector<1x16xf32>,
    %swap3A_83 = vector.shape_cast %swap3A_82 : vector<1x16xf32> to vector<16xf32>
    %swap3A_84 = vector.shape_cast %broadcast_in_dim3A_7 : vector<16xf32> to vector<1x16xf32>
    tpu.vector_store %arg10[%swap3A_80, %swap3A_81], %swap3A_84 {strides = array<i32>} : memref<8x128xf32, #tpu.memory_space<vmem>>, vector<1x16xf32>,
    %swap3A_85 = arith.constant 1 : i32
    %swap3A_86 = arith.index_cast %swap3A_85 : i32 to index
    %swap3A_87 = arith.constant 80 : index
    %swap3A_88 = tpu.vector_load %arg10[%swap3A_86, %swap3A_87] {strides = array<i32>} : memref<8x128xf32, #tpu.memory_space<vmem>>, vector<1x16xf32>,
    %swap3A_89 = vector.shape_cast %swap3A_88 : vector<1x16xf32> to vector<16xf32>
    %swap3A_90 = vector.shape_cast %broadcast_in_dim3A_7 : vector<16xf32> to vector<1x16xf32>
    tpu.vector_store %arg10[%swap3A_86, %swap3A_87], %swap3A_90 {strides = array<i32>} : memref<8x128xf32, #tpu.memory_space<vmem>>, vector<1x16xf32>,
    %swap3A_91 = arith.constant 1 : i32
    %swap3A_92 = arith.index_cast %swap3A_91 : i32 to index
    %swap3A_93 = arith.constant 96 : index
    %swap3A_94 = tpu.vector_load %arg10[%swap3A_92, %swap3A_93] {strides = array<i32>} : memref<8x128xf32, #tpu.memory_space<vmem>>, vector<1x16xf32>,
    %swap3A_95 = vector.shape_cast %swap3A_94 : vector<1x16xf32> to vector<16xf32>
    %swap3A_96 = vector.shape_cast %broadcast_in_dim3A_7 : vector<16xf32> to vector<1x16xf32>
    tpu.vector_store %arg10[%swap3A_92, %swap3A_93], %swap3A_96 {strides = array<i32>} : memref<8x128xf32, #tpu.memory_space<vmem>>, vector<1x16xf32>,
    %swap3A_97 = arith.constant 1 : i32
    %swap3A_98 = arith.index_cast %swap3A_97 : i32 to index
    %swap3A_99 = arith.constant 112 : index
    %swap3A_100 = tpu.vector_load %arg10[%swap3A_98, %swap3A_99] {strides = array<i32>} : memref<8x128xf32, #tpu.memory_space<vmem>>, vector<1x16xf32>,
    %swap3A_101 = vector.shape_cast %swap3A_100 : vector<1x16xf32> to vector<16xf32>
    %swap3A_102 = vector.shape_cast %broadcast_in_dim3A_7 : vector<16xf32> to vector<1x16xf32>
    tpu.vector_store %arg10[%swap3A_98, %swap3A_99], %swap3A_102 {strides = array<i32>} : memref<8x128xf32, #tpu.memory_space<vmem>>, vector<1x16xf32>,
    %swap3A_103 = arith.constant 2 : i32
    %swap3A_104 = arith.index_cast %swap3A_103 : i32 to index
    %swap3A_105 = arith.constant 0 : index
    %swap3A_106 = tpu.vector_load %arg10[%swap3A_104, %swap3A_105] {strides = array<i32>} : memref<8x128xf32, #tpu.memory_space<vmem>>, vector<1x16xf32>,
    %swap3A_107 = vector.shape_cast %swap3A_106 : vector<1x16xf32> to vector<16xf32>
    %swap3A_108 = vector.shape_cast %broadcast_in_dim3A_7 : vector<16xf32> to vector<1x16xf32>
    tpu.vector_store %arg10[%swap3A_104, %swap3A_105], %swap3A_108 {strides = array<i32>} : memref<8x128xf32, #tpu.memory_space<vmem>>, vector<1x16xf32>,
    %swap3A_109 = arith.constant 2 : i32
    %swap3A_110 = arith.index_cast %swap3A_109 : i32 to index
    %swap3A_111 = arith.constant 16 : index
    %swap3A_112 = tpu.vector_load %arg10[%swap3A_110, %swap3A_111] {strides = array<i32>} : memref<8x128xf32, #tpu.memory_space<vmem>>, vector<1x16xf32>,
    %swap3A_113 = vector.shape_cast %swap3A_112 : vector<1x16xf32> to vector<16xf32>
    %swap3A_114 = vector.shape_cast %broadcast_in_dim3A_7 : vector<16xf32> to vector<1x16xf32>
    tpu.vector_store %arg10[%swap3A_110, %swap3A_111], %swap3A_114 {strides = array<i32>} : memref<8x128xf32, #tpu.memory_space<vmem>>, vector<1x16xf32>,
    %swap3A_115 = arith.constant 2 : i32
    %swap3A_116 = arith.index_cast %swap3A_115 : i32 to index
    %swap3A_117 = arith.constant 32 : index
    %swap3A_118 = tpu.vector_load %arg10[%swap3A_116, %swap3A_117] {strides = array<i32>} : memref<8x128xf32, #tpu.memory_space<vmem>>, vector<1x16xf32>,
    %swap3A_119 = vector.shape_cast %swap3A_118 : vector<1x16xf32> to vector<16xf32>
    %swap3A_120 = vector.shape_cast %broadcast_in_dim3A_7 : vector<16xf32> to vector<1x16xf32>
    tpu.vector_store %arg10[%swap3A_116, %swap3A_117], %swap3A_120 {strides = array<i32>} : memref<8x128xf32, #tpu.memory_space<vmem>>, vector<1x16xf32>,
    %swap3A_121 = arith.constant 2 : i32
    %swap3A_122 = arith.index_cast %swap3A_121 : i32 to index
    %swap3A_123 = arith.constant 48 : index
    %swap3A_124 = tpu.vector_load %arg10[%swap3A_122, %swap3A_123] {strides = array<i32>} : memref<8x128xf32, #tpu.memory_space<vmem>>, vector<1x16xf32>,
    %swap3A_125 = vector.shape_cast %swap3A_124 : vector<1x16xf32> to vector<16xf32>
    %swap3A_126 = vector.shape_cast %broadcast_in_dim3A_7 : vector<16xf32> to vector<1x16xf32>
    tpu.vector_store %arg10[%swap3A_122, %swap3A_123], %swap3A_126 {strides = array<i32>} : memref<8x128xf32, #tpu.memory_space<vmem>>, vector<1x16xf32>,
    %swap3A_127 = arith.constant 2 : i32
    %swap3A_128 = arith.index_cast %swap3A_127 : i32 to index
    %swap3A_129 = arith.constant 64 : index
    %swap3A_130 = tpu.vector_load %arg10[%swap3A_128, %swap3A_129] {strides = array<i32>} : memref<8x128xf32, #tpu.memory_space<vmem>>, vector<1x16xf32>,
    %swap3A_131 = vector.shape_cast %swap3A_130 : vector<1x16xf32> to vector<16xf32>
    %swap3A_132 = vector.shape_cast %broadcast_in_dim3A_7 : vector<16xf32> to vector<1x16xf32>
    tpu.vector_store %arg10[%swap3A_128, %swap3A_129], %swap3A_132 {strides = array<i32>} : memref<8x128xf32, #tpu.memory_space<vmem>>, vector<1x16xf32>,
    %swap3A_133 = arith.constant 2 : i32
    %swap3A_134 = arith.index_cast %swap3A_133 : i32 to index
    %swap3A_135 = arith.constant 80 : index
    %swap3A_136 = tpu.vector_load %arg10[%swap3A_134, %swap3A_135] {strides = array<i32>} : memref<8x128xf32, #tpu.memory_space<vmem>>, vector<1x16xf32>,
    %swap3A_137 = vector.shape_cast %swap3A_136 : vector<1x16xf32> to vector<16xf32>
    %swap3A_138 = vector.shape_cast %broadcast_in_dim3A_7 : vector<16xf32> to vector<1x16xf32>
    tpu.vector_store %arg10[%swap3A_134, %swap3A_135], %swap3A_138 {strides = array<i32>} : memref<8x128xf32, #tpu.memory_space<vmem>>, vector<1x16xf32>,
    %swap3A_139 = arith.constant 2 : i32
    %swap3A_140 = arith.index_cast %swap3A_139 : i32 to index
    %swap3A_141 = arith.constant 96 : index
    %swap3A_142 = tpu.vector_load %arg10[%swap3A_140, %swap3A_141] {strides = array<i32>} : memref<8x128xf32, #tpu.memory_space<vmem>>, vector<1x16xf32>,
    %swap3A_143 = vector.shape_cast %swap3A_142 : vector<1x16xf32> to vector<16xf32>
    %swap3A_144 = vector.shape_cast %broadcast_in_dim3A_7 : vector<16xf32> to vector<1x16xf32>
    tpu.vector_store %arg10[%swap3A_140, %swap3A_141], %swap3A_144 {strides = array<i32>} : memref<8x128xf32, #tpu.memory_space<vmem>>, vector<1x16xf32>,
    %swap3A_145 = arith.constant 2 : i32
    %swap3A_146 = arith.index_cast %swap3A_145 : i32 to index
    %swap3A_147 = arith.constant 112 : index
    %swap3A_148 = tpu.vector_load %arg10[%swap3A_146, %swap3A_147] {strides = array<i32>} : memref<8x128xf32, #tpu.memory_space<vmem>>, vector<1x16xf32>,
    %swap3A_149 = vector.shape_cast %swap3A_148 : vector<1x16xf32> to vector<16xf32>
    %swap3A_150 = vector.shape_cast %broadcast_in_dim3A_7 : vector<16xf32> to vector<1x16xf32>
    tpu.vector_store %arg10[%swap3A_146, %swap3A_147], %swap3A_150 {strides = array<i32>} : memref<8x128xf32, #tpu.memory_space<vmem>>, vector<1x16xf32>,
    %swap3A_151 = arith.constant 3 : i32
    %swap3A_152 = arith.index_cast %swap3A_151 : i32 to index
    %swap3A_153 = arith.constant 0 : index
    %swap3A_154 = tpu.vector_load %arg10[%swap3A_152, %swap3A_153] {strides = array<i32>} : memref<8x128xf32, #tpu.memory_space<vmem>>, vector<1x16xf32>,
    %swap3A_155 = vector.shape_cast %swap3A_154 : vector<1x16xf32> to vector<16xf32>
    %swap3A_156 = vector.shape_cast %broadcast_in_dim3A_7 : vector<16xf32> to vector<1x16xf32>
    tpu.vector_store %arg10[%swap3A_152, %swap3A_153], %swap3A_156 {strides = array<i32>} : memref<8x128xf32, #tpu.memory_space<vmem>>, vector<1x16xf32>,
    %swap3A_157 = arith.constant 3 : i32
    %swap3A_158 = arith.index_cast %swap3A_157 : i32 to index
    %swap3A_159 = arith.constant 16 : index
    %swap3A_160 = tpu.vector_load %arg10[%swap3A_158, %swap3A_159] {strides = array<i32>} : memref<8x128xf32, #tpu.memory_space<vmem>>, vector<1x16xf32>,
    %swap3A_161 = vector.shape_cast %swap3A_160 : vector<1x16xf32> to vector<16xf32>
    %swap3A_162 = vector.shape_cast %broadcast_in_dim3A_7 : vector<16xf32> to vector<1x16xf32>
    tpu.vector_store %arg10[%swap3A_158, %swap3A_159], %swap3A_162 {strides = array<i32>} : memref<8x128xf32, #tpu.memory_space<vmem>>, vector<1x16xf32>,
    %swap3A_163 = arith.constant 3 : i32
    %swap3A_164 = arith.index_cast %swap3A_163 : i32 to index
    %swap3A_165 = arith.constant 32 : index
    %swap3A_166 = tpu.vector_load %arg10[%swap3A_164, %swap3A_165] {strides = array<i32>} : memref<8x128xf32, #tpu.memory_space<vmem>>, vector<1x16xf32>,
    %swap3A_167 = vector.shape_cast %swap3A_166 : vector<1x16xf32> to vector<16xf32>
    %swap3A_168 = vector.shape_cast %broadcast_in_dim3A_7 : vector<16xf32> to vector<1x16xf32>
    tpu.vector_store %arg10[%swap3A_164, %swap3A_165], %swap3A_168 {strides = array<i32>} : memref<8x128xf32, #tpu.memory_space<vmem>>, vector<1x16xf32>,
    %swap3A_169 = arith.constant 3 : i32
    %swap3A_170 = arith.index_cast %swap3A_169 : i32 to index
    %swap3A_171 = arith.constant 48 : index
    %swap3A_172 = tpu.vector_load %arg10[%swap3A_170, %swap3A_171] {strides = array<i32>} : memref<8x128xf32, #tpu.memory_space<vmem>>, vector<1x16xf32>,
    %swap3A_173 = vector.shape_cast %swap3A_172 : vector<1x16xf32> to vector<16xf32>
    %swap3A_174 = vector.shape_cast %broadcast_in_dim3A_7 : vector<16xf32> to vector<1x16xf32>
    tpu.vector_store %arg10[%swap3A_170, %swap3A_171], %swap3A_174 {strides = array<i32>} : memref<8x128xf32, #tpu.memory_space<vmem>>, vector<1x16xf32>,
    %swap3A_175 = arith.constant 3 : i32
    %swap3A_176 = arith.index_cast %swap3A_175 : i32 to index
    %swap3A_177 = arith.constant 64 : index
    %swap3A_178 = tpu.vector_load %arg10[%swap3A_176, %swap3A_177] {strides = array<i32>} : memref<8x128xf32, #tpu.memory_space<vmem>>, vector<1x16xf32>,
    %swap3A_179 = vector.shape_cast %swap3A_178 : vector<1x16xf32> to vector<16xf32>
    %swap3A_180 = vector.shape_cast %broadcast_in_dim3A_7 : vector<16xf32> to vector<1x16xf32>
    tpu.vector_store %arg10[%swap3A_176, %swap3A_177], %swap3A_180 {strides = array<i32>} : memref<8x128xf32, #tpu.memory_space<vmem>>, vector<1x16xf32>,
    %swap3A_181 = arith.constant 3 : i32
    %swap3A_182 = arith.index_cast %swap3A_181 : i32 to index
    %swap3A_183 = arith.constant 80 : index
    %swap3A_184 = tpu.vector_load %arg10[%swap3A_182, %swap3A_183] {strides = array<i32>} : memref<8x128xf32, #tpu.memory_space<vmem>>, vector<1x16xf32>,
    %swap3A_185 = vector.shape_cast %swap3A_184 : vector<1x16xf32> to vector<16xf32>
    %swap3A_186 = vector.shape_cast %broadcast_in_dim3A_7 : vector<16xf32> to vector<1x16xf32>
    tpu.vector_store %arg10[%swap3A_182, %swap3A_183], %swap3A_186 {strides = array<i32>} : memref<8x128xf32, #tpu.memory_space<vmem>>, vector<1x16xf32>,
    %swap3A_187 = arith.constant 3 : i32
    %swap3A_188 = arith.index_cast %swap3A_187 : i32 to index
    %swap3A_189 = arith.constant 96 : index
    %swap3A_190 = tpu.vector_load %arg10[%swap3A_188, %swap3A_189] {strides = array<i32>} : memref<8x128xf32, #tpu.memory_space<vmem>>, vector<1x16xf32>,
    %swap3A_191 = vector.shape_cast %swap3A_190 : vector<1x16xf32> to vector<16xf32>
    %swap3A_192 = vector.shape_cast %broadcast_in_dim3A_7 : vector<16xf32> to vector<1x16xf32>
    tpu.vector_store %arg10[%swap3A_188, %swap3A_189], %swap3A_192 {strides = array<i32>} : memref<8x128xf32, #tpu.memory_space<vmem>>, vector<1x16xf32>,
    %swap3A_193 = arith.constant 3 : i32
    %swap3A_194 = arith.index_cast %swap3A_193 : i32 to index
    %swap3A_195 = arith.constant 112 : index
    %swap3A_196 = tpu.vector_load %arg10[%swap3A_194, %swap3A_195] {strides = array<i32>} : memref<8x128xf32, #tpu.memory_space<vmem>>, vector<1x16xf32>,
    %swap3A_197 = vector.shape_cast %swap3A_196 : vector<1x16xf32> to vector<16xf32>
    %swap3A_198 = vector.shape_cast %broadcast_in_dim3A_7 : vector<16xf32> to vector<1x16xf32>
    tpu.vector_store %arg10[%swap3A_194, %swap3A_195], %swap3A_198 {strides = array<i32>} : memref<8x128xf32, #tpu.memory_space<vmem>>, vector<1x16xf32>,
    %swap3A_199 = arith.constant 4 : i32
    %swap3A_200 = arith.index_cast %swap3A_199 : i32 to index
    %swap3A_201 = arith.constant 0 : index
    %swap3A_202 = tpu.vector_load %arg10[%swap3A_200, %swap3A_201] {strides = array<i32>} : memref<8x128xf32, #tpu.memory_space<vmem>>, vector<1x16xf32>,
    %swap3A_203 = vector.shape_cast %swap3A_202 : vector<1x16xf32> to vector<16xf32>
    %swap3A_204 = vector.shape_cast %broadcast_in_dim3A_7 : vector<16xf32> to vector<1x16xf32>
    tpu.vector_store %arg10[%swap3A_200, %swap3A_201], %swap3A_204 {strides = array<i32>} : memref<8x128xf32, #tpu.memory_space<vmem>>, vector<1x16xf32>,
    %swap3A_205 = arith.constant 4 : i32
    %swap3A_206 = arith.index_cast %swap3A_205 : i32 to index
    %swap3A_207 = arith.constant 16 : index
    %swap3A_208 = tpu.vector_load %arg10[%swap3A_206, %swap3A_207] {strides = array<i32>} : memref<8x128xf32, #tpu.memory_space<vmem>>, vector<1x16xf32>,
    %swap3A_209 = vector.shape_cast %swap3A_208 : vector<1x16xf32> to vector<16xf32>
    %swap3A_210 = vector.shape_cast %broadcast_in_dim3A_7 : vector<16xf32> to vector<1x16xf32>
    tpu.vector_store %arg10[%swap3A_206, %swap3A_207], %swap3A_210 {strides = array<i32>} : memref<8x128xf32, #tpu.memory_space<vmem>>, vector<1x16xf32>,
    %swap3A_211 = arith.constant 4 : i32
    %swap3A_212 = arith.index_cast %swap3A_211 : i32 to index
    %swap3A_213 = arith.constant 32 : index
    %swap3A_214 = tpu.vector_load %arg10[%swap3A_212, %swap3A_213] {strides = array<i32>} : memref<8x128xf32, #tpu.memory_space<vmem>>, vector<1x16xf32>,
    %swap3A_215 = vector.shape_cast %swap3A_214 : vector<1x16xf32> to vector<16xf32>
    %swap3A_216 = vector.shape_cast %broadcast_in_dim3A_7 : vector<16xf32> to vector<1x16xf32>
    tpu.vector_store %arg10[%swap3A_212, %swap3A_213], %swap3A_216 {strides = array<i32>} : memref<8x128xf32, #tpu.memory_space<vmem>>, vector<1x16xf32>,
    %swap3A_217 = arith.constant 4 : i32
    %swap3A_218 = arith.index_cast %swap3A_217 : i32 to index
    %swap3A_219 = arith.constant 48 : index
    %swap3A_220 = tpu.vector_load %arg10[%swap3A_218, %swap3A_219] {strides = array<i32>} : memref<8x128xf32, #tpu.memory_space<vmem>>, vector<1x16xf32>,
    %swap3A_221 = vector.shape_cast %swap3A_220 : vector<1x16xf32> to vector<16xf32>
    %swap3A_222 = vector.shape_cast %broadcast_in_dim3A_7 : vector<16xf32> to vector<1x16xf32>
    tpu.vector_store %arg10[%swap3A_218, %swap3A_219], %swap3A_222 {strides = array<i32>} : memref<8x128xf32, #tpu.memory_space<vmem>>, vector<1x16xf32>,
    %swap3A_223 = arith.constant 4 : i32
    %swap3A_224 = arith.index_cast %swap3A_223 : i32 to index
    %swap3A_225 = arith.constant 64 : index
    %swap3A_226 = tpu.vector_load %arg10[%swap3A_224, %swap3A_225] {strides = array<i32>} : memref<8x128xf32, #tpu.memory_space<vmem>>, vector<1x16xf32>,
    %swap3A_227 = vector.shape_cast %swap3A_226 : vector<1x16xf32> to vector<16xf32>
    %swap3A_228 = vector.shape_cast %broadcast_in_dim3A_7 : vector<16xf32> to vector<1x16xf32>
    tpu.vector_store %arg10[%swap3A_224, %swap3A_225], %swap3A_228 {strides = array<i32>} : memref<8x128xf32, #tpu.memory_space<vmem>>, vector<1x16xf32>,
    %swap3A_229 = arith.constant 4 : i32
    %swap3A_230 = arith.index_cast %swap3A_229 : i32 to index
    %swap3A_231 = arith.constant 80 : index
    %swap3A_232 = tpu.vector_load %arg10[%swap3A_230, %swap3A_231] {strides = array<i32>} : memref<8x128xf32, #tpu.memory_space<vmem>>, vector<1x16xf32>,
    %swap3A_233 = vector.shape_cast %swap3A_232 : vector<1x16xf32> to vector<16xf32>
    %swap3A_234 = vector.shape_cast %broadcast_in_dim3A_7 : vector<16xf32> to vector<1x16xf32>
    tpu.vector_store %arg10[%swap3A_230, %swap3A_231], %swap3A_234 {strides = array<i32>} : memref<8x128xf32, #tpu.memory_space<vmem>>, vector<1x16xf32>,
    %swap3A_235 = arith.constant 4 : i32
    %swap3A_236 = arith.index_cast %swap3A_235 : i32 to index
    %swap3A_237 = arith.constant 96 : index
    %swap3A_238 = tpu.vector_load %arg10[%swap3A_236, %swap3A_237] {strides = array<i32>} : memref<8x128xf32, #tpu.memory_space<vmem>>, vector<1x16xf32>,
    %swap3A_239 = vector.shape_cast %swap3A_238 : vector<1x16xf32> to vector<16xf32>
    %swap3A_240 = vector.shape_cast %broadcast_in_dim3A_7 : vector<16xf32> to vector<1x16xf32>
    tpu.vector_store %arg10[%swap3A_236, %swap3A_237], %swap3A_240 {strides = array<i32>} : memref<8x128xf32, #tpu.memory_space<vmem>>, vector<1x16xf32>,
    %swap3A_241 = arith.constant 4 : i32
    %swap3A_242 = arith.index_cast %swap3A_241 : i32 to index
    %swap3A_243 = arith.constant 112 : index
    %swap3A_244 = tpu.vector_load %arg10[%swap3A_242, %swap3A_243] {strides = array<i32>} : memref<8x128xf32, #tpu.memory_space<vmem>>, vector<1x16xf32>,
    %swap3A_245 = vector.shape_cast %swap3A_244 : vector<1x16xf32> to vector<16xf32>
    %swap3A_246 = vector.shape_cast %broadcast_in_dim3A_7 : vector<16xf32> to vector<1x16xf32>
    tpu.vector_store %arg10[%swap3A_242, %swap3A_243], %swap3A_246 {strides = array<i32>} : memref<8x128xf32, #tpu.memory_space<vmem>>, vector<1x16xf32>,
    %swap3A_247 = arith.constant 5 : i32
    %swap3A_248 = arith.index_cast %swap3A_247 : i32 to index
    %swap3A_249 = arith.constant 0 : index
    %swap3A_250 = tpu.vector_load %arg10[%swap3A_248, %swap3A_249] {strides = array<i32>} : memref<8x128xf32, #tpu.memory_space<vmem>>, vector<1x16xf32>,
    %swap3A_251 = vector.shape_cast %swap3A_250 : vector<1x16xf32> to vector<16xf32>
    %swap3A_252 = vector.shape_cast %broadcast_in_dim3A_7 : vector<16xf32> to vector<1x16xf32>
    tpu.vector_store %arg10[%swap3A_248, %swap3A_249], %swap3A_252 {strides = array<i32>} : memref<8x128xf32, #tpu.memory_space<vmem>>, vector<1x16xf32>,
    %swap3A_253 = arith.constant 5 : i32
    %swap3A_254 = arith.index_cast %swap3A_253 : i32 to index
    %swap3A_255 = arith.constant 16 : index
    %swap3A_256 = tpu.vector_load %arg10[%swap3A_254, %swap3A_255] {strides = array<i32>} : memref<8x128xf32, #tpu.memory_space<vmem>>, vector<1x16xf32>,
    %swap3A_257 = vector.shape_cast %swap3A_256 : vector<1x16xf32> to vector<16xf32>
    %swap3A_258 = vector.shape_cast %broadcast_in_dim3A_7 : vector<16xf32> to vector<1x16xf32>
    tpu.vector_store %arg10[%swap3A_254, %swap3A_255], %swap3A_258 {strides = array<i32>} : memref<8x128xf32, #tpu.memory_space<vmem>>, vector<1x16xf32>,
    %swap3A_259 = arith.constant 5 : i32
    %swap3A_260 = arith.index_cast %swap3A_259 : i32 to index
    %swap3A_261 = arith.constant 32 : index
    %swap3A_262 = tpu.vector_load %arg10[%swap3A_260, %swap3A_261] {strides = array<i32>} : memref<8x128xf32, #tpu.memory_space<vmem>>, vector<1x16xf32>,
    %swap3A_263 = vector.shape_cast %swap3A_262 : vector<1x16xf32> to vector<16xf32>
    %swap3A_264 = vector.shape_cast %broadcast_in_dim3A_7 : vector<16xf32> to vector<1x16xf32>
    tpu.vector_store %arg10[%swap3A_260, %swap3A_261], %swap3A_264 {strides = array<i32>} : memref<8x128xf32, #tpu.memory_space<vmem>>, vector<1x16xf32>,
    %swap3A_265 = arith.constant 5 : i32
    %swap3A_266 = arith.index_cast %swap3A_265 : i32 to index
    %swap3A_267 = arith.constant 48 : index
    %swap3A_268 = tpu.vector_load %arg10[%swap3A_266, %swap3A_267] {strides = array<i32>} : memref<8x128xf32, #tpu.memory_space<vmem>>, vector<1x16xf32>,
    %swap3A_269 = vector.shape_cast %swap3A_268 : vector<1x16xf32> to vector<16xf32>
    %swap3A_270 = vector.shape_cast %broadcast_in_dim3A_7 : vector<16xf32> to vector<1x16xf32>
    tpu.vector_store %arg10[%swap3A_266, %swap3A_267], %swap3A_270 {strides = array<i32>} : memref<8x128xf32, #tpu.memory_space<vmem>>, vector<1x16xf32>,
    %swap3A_271 = arith.constant 5 : i32
    %swap3A_272 = arith.index_cast %swap3A_271 : i32 to index
    %swap3A_273 = arith.constant 64 : index
    %swap3A_274 = tpu.vector_load %arg10[%swap3A_272, %swap3A_273] {strides = array<i32>} : memref<8x128xf32, #tpu.memory_space<vmem>>, vector<1x16xf32>,
    %swap3A_275 = vector.shape_cast %swap3A_274 : vector<1x16xf32> to vector<16xf32>
    %swap3A_276 = vector.shape_cast %broadcast_in_dim3A_7 : vector<16xf32> to vector<1x16xf32>
    tpu.vector_store %arg10[%swap3A_272, %swap3A_273], %swap3A_276 {strides = array<i32>} : memref<8x128xf32, #tpu.memory_space<vmem>>, vector<1x16xf32>,
    %swap3A_277 = arith.constant 5 : i32
    %swap3A_278 = arith.index_cast %swap3A_277 : i32 to index
    %swap3A_279 = arith.constant 80 : index
    %swap3A_280 = tpu.vector_load %arg10[%swap3A_278, %swap3A_279] {strides = array<i32>} : memref<8x128xf32, #tpu.memory_space<vmem>>, vector<1x16xf32>,
    %swap3A_281 = vector.shape_cast %swap3A_280 : vector<1x16xf32> to vector<16xf32>
    %swap3A_282 = vector.shape_cast %broadcast_in_dim3A_7 : vector<16xf32> to vector<1x16xf32>
    tpu.vector_store %arg10[%swap3A_278, %swap3A_279], %swap3A_282 {strides = array<i32>} : memref<8x128xf32, #tpu.memory_space<vmem>>, vector<1x16xf32>,
    %swap3A_283 = arith.constant 5 : i32
    %swap3A_284 = arith.index_cast %swap3A_283 : i32 to index
    %swap3A_285 = arith.constant 96 : index
    %swap3A_286 = tpu.vector_load %arg10[%swap3A_284, %swap3A_285] {strides = array<i32>} : memref<8x128xf32, #tpu.memory_space<vmem>>, vector<1x16xf32>,
    %swap3A_287 = vector.shape_cast %swap3A_286 : vector<1x16xf32> to vector<16xf32>
    %swap3A_288 = vector.shape_cast %broadcast_in_dim3A_7 : vector<16xf32> to vector<1x16xf32>
    tpu.vector_store %arg10[%swap3A_284, %swap3A_285], %swap3A_288 {strides = array<i32>} : memref<8x128xf32, #tpu.memory_space<vmem>>, vector<1x16xf32>,
    %swap3A_289 = arith.constant 5 : i32
    %swap3A_290 = arith.index_cast %swap3A_289 : i32 to index
    %swap3A_291 = arith.constant 112 : index
    %swap3A_292 = tpu.vector_load %arg10[%swap3A_290, %swap3A_291] {strides = array<i32>} : memref<8x128xf32, #tpu.memory_space<vmem>>, vector<1x16xf32>,
    %swap3A_293 = vector.shape_cast %swap3A_292 : vector<1x16xf32> to vector<16xf32>
    %swap3A_294 = vector.shape_cast %broadcast_in_dim3A_7 : vector<16xf32> to vector<1x16xf32>
    tpu.vector_store %arg10[%swap3A_290, %swap3A_291], %swap3A_294 {strides = array<i32>} : memref<8x128xf32, #tpu.memory_space<vmem>>, vector<1x16xf32>,
    %swap3A_295 = arith.constant 6 : i32
    %swap3A_296 = arith.index_cast %swap3A_295 : i32 to index
    %swap3A_297 = arith.constant 0 : index
    %swap3A_298 = tpu.vector_load %arg10[%swap3A_296, %swap3A_297] {strides = array<i32>} : memref<8x128xf32, #tpu.memory_space<vmem>>, vector<1x16xf32>,
    %swap3A_299 = vector.shape_cast %swap3A_298 : vector<1x16xf32> to vector<16xf32>
    %swap3A_300 = vector.shape_cast %broadcast_in_dim3A_7 : vector<16xf32> to vector<1x16xf32>
    tpu.vector_store %arg10[%swap3A_296, %swap3A_297], %swap3A_300 {strides = array<i32>} : memref<8x128xf32, #tpu.memory_space<vmem>>, vector<1x16xf32>,
    %swap3A_301 = arith.constant 6 : i32
    %swap3A_302 = arith.index_cast %swap3A_301 : i32 to index
    %swap3A_303 = arith.constant 16 : index
    %swap3A_304 = tpu.vector_load %arg10[%swap3A_302, %swap3A_303] {strides = array<i32>} : memref<8x128xf32, #tpu.memory_space<vmem>>, vector<1x16xf32>,
    %swap3A_305 = vector.shape_cast %swap3A_304 : vector<1x16xf32> to vector<16xf32>
    %swap3A_306 = vector.shape_cast %broadcast_in_dim3A_7 : vector<16xf32> to vector<1x16xf32>
    tpu.vector_store %arg10[%swap3A_302, %swap3A_303], %swap3A_306 {strides = array<i32>} : memref<8x128xf32, #tpu.memory_space<vmem>>, vector<1x16xf32>,
    %swap3A_307 = arith.constant 6 : i32
    %swap3A_308 = arith.index_cast %swap3A_307 : i32 to index
    %swap3A_309 = arith.constant 32 : index
    %swap3A_310 = tpu.vector_load %arg10[%swap3A_308, %swap3A_309] {strides = array<i32>} : memref<8x128xf32, #tpu.memory_space<vmem>>, vector<1x16xf32>,
    %swap3A_311 = vector.shape_cast %swap3A_310 : vector<1x16xf32> to vector<16xf32>
    %swap3A_312 = vector.shape_cast %broadcast_in_dim3A_7 : vector<16xf32> to vector<1x16xf32>
    tpu.vector_store %arg10[%swap3A_308, %swap3A_309], %swap3A_312 {strides = array<i32>} : memref<8x128xf32, #tpu.memory_space<vmem>>, vector<1x16xf32>,
    %swap3A_313 = arith.constant 6 : i32
    %swap3A_314 = arith.index_cast %swap3A_313 : i32 to index
    %swap3A_315 = arith.constant 48 : index
    %swap3A_316 = tpu.vector_load %arg10[%swap3A_314, %swap3A_315] {strides = array<i32>} : memref<8x128xf32, #tpu.memory_space<vmem>>, vector<1x16xf32>,
    %swap3A_317 = vector.shape_cast %swap3A_316 : vector<1x16xf32> to vector<16xf32>
    %swap3A_318 = vector.shape_cast %broadcast_in_dim3A_7 : vector<16xf32> to vector<1x16xf32>
    tpu.vector_store %arg10[%swap3A_314, %swap3A_315], %swap3A_318 {strides = array<i32>} : memref<8x128xf32, #tpu.memory_space<vmem>>, vector<1x16xf32>,
    %swap3A_319 = arith.constant 6 : i32
    %swap3A_320 = arith.index_cast %swap3A_319 : i32 to index
    %swap3A_321 = arith.constant 64 : index
    %swap3A_322 = tpu.vector_load %arg10[%swap3A_320, %swap3A_321] {strides = array<i32>} : memref<8x128xf32, #tpu.memory_space<vmem>>, vector<1x16xf32>,
    %swap3A_323 = vector.shape_cast %swap3A_322 : vector<1x16xf32> to vector<16xf32>
    %swap3A_324 = vector.shape_cast %broadcast_in_dim3A_7 : vector<16xf32> to vector<1x16xf32>
    tpu.vector_store %arg10[%swap3A_320, %swap3A_321], %swap3A_324 {strides = array<i32>} : memref<8x128xf32, #tpu.memory_space<vmem>>, vector<1x16xf32>,
    %swap3A_325 = arith.constant 6 : i32
    %swap3A_326 = arith.index_cast %swap3A_325 : i32 to index
    %swap3A_327 = arith.constant 80 : index
    %swap3A_328 = tpu.vector_load %arg10[%swap3A_326, %swap3A_327] {strides = array<i32>} : memref<8x128xf32, #tpu.memory_space<vmem>>, vector<1x16xf32>,
    %swap3A_329 = vector.shape_cast %swap3A_328 : vector<1x16xf32> to vector<16xf32>
    %swap3A_330 = vector.shape_cast %broadcast_in_dim3A_7 : vector<16xf32> to vector<1x16xf32>
    tpu.vector_store %arg10[%swap3A_326, %swap3A_327], %swap3A_330 {strides = array<i32>} : memref<8x128xf32, #tpu.memory_space<vmem>>, vector<1x16xf32>,
    %swap3A_331 = arith.constant 6 : i32
    %swap3A_332 = arith.index_cast %swap3A_331 : i32 to index
    %swap3A_333 = arith.constant 96 : index
    %swap3A_334 = tpu.vector_load %arg10[%swap3A_332, %swap3A_333] {strides = array<i32>} : memref<8x128xf32, #tpu.memory_space<vmem>>, vector<1x16xf32>,
    %swap3A_335 = vector.shape_cast %swap3A_334 : vector<1x16xf32> to vector<16xf32>
    %swap3A_336 = vector.shape_cast %broadcast_in_dim3A_7 : vector<16xf32> to vector<1x16xf32>
    tpu.vector_store %arg10[%swap3A_332, %swap3A_333], %swap3A_336 {strides = array<i32>} : memref<8x128xf32, #tpu.memory_space<vmem>>, vector<1x16xf32>,
    %swap3A_337 = arith.constant 6 : i32
    %swap3A_338 = arith.index_cast %swap3A_337 : i32 to index
    %swap3A_339 = arith.constant 112 : index
    %swap3A_340 = tpu.vector_load %arg10[%swap3A_338, %swap3A_339] {strides = array<i32>} : memref<8x128xf32, #tpu.memory_space<vmem>>, vector<1x16xf32>,
    %swap3A_341 = vector.shape_cast %swap3A_340 : vector<1x16xf32> to vector<16xf32>
    %swap3A_342 = vector.shape_cast %broadcast_in_dim3A_7 : vector<16xf32> to vector<1x16xf32>
    tpu.vector_store %arg10[%swap3A_338, %swap3A_339], %swap3A_342 {strides = array<i32>} : memref<8x128xf32, #tpu.memory_space<vmem>>, vector<1x16xf32>,
    %swap3A_343 = arith.constant 7 : i32
    %swap3A_344 = arith.index_cast %swap3A_343 : i32 to index
    %swap3A_345 = arith.constant 0 : index
    %swap3A_346 = tpu.vector_load %arg10[%swap3A_344, %swap3A_345] {strides = array<i32>} : memref<8x128xf32, #tpu.memory_space<vmem>>, vector<1x16xf32>,
    %swap3A_347 = vector.shape_cast %swap3A_346 : vector<1x16xf32> to vector<16xf32>
    %swap3A_348 = vector.shape_cast %broadcast_in_dim3A_7 : vector<16xf32> to vector<1x16xf32>
    tpu.vector_store %arg10[%swap3A_344, %swap3A_345], %swap3A_348 {strides = array<i32>} : memref<8x128xf32, #tpu.memory_space<vmem>>, vector<1x16xf32>,
    %swap3A_349 = arith.constant 7 : i32
    %swap3A_350 = arith.index_cast %swap3A_349 : i32 to index
    %swap3A_351 = arith.constant 16 : index
    %swap3A_352 = tpu.vector_load %arg10[%swap3A_350, %swap3A_351] {strides = array<i32>} : memref<8x128xf32, #tpu.memory_space<vmem>>, vector<1x16xf32>,
    %swap3A_353 = vector.shape_cast %swap3A_352 : vector<1x16xf32> to vector<16xf32>
    %swap3A_354 = vector.shape_cast %broadcast_in_dim3A_7 : vector<16xf32> to vector<1x16xf32>
    tpu.vector_store %arg10[%swap3A_350, %swap3A_351], %swap3A_354 {strides = array<i32>} : memref<8x128xf32, #tpu.memory_space<vmem>>, vector<1x16xf32>,
    %swap3A_355 = arith.constant 7 : i32
    %swap3A_356 = arith.index_cast %swap3A_355 : i32 to index
    %swap3A_357 = arith.constant 32 : index
    %swap3A_358 = tpu.vector_load %arg10[%swap3A_356, %swap3A_357] {strides = array<i32>} : memref<8x128xf32, #tpu.memory_space<vmem>>, vector<1x16xf32>,
    %swap3A_359 = vector.shape_cast %swap3A_358 : vector<1x16xf32> to vector<16xf32>
    %swap3A_360 = vector.shape_cast %broadcast_in_dim3A_7 : vector<16xf32> to vector<1x16xf32>
    tpu.vector_store %arg10[%swap3A_356, %swap3A_357], %swap3A_360 {strides = array<i32>} : memref<8x128xf32, #tpu.memory_space<vmem>>, vector<1x16xf32>,
    %swap3A_361 = arith.constant 7 : i32
    %swap3A_362 = arith.index_cast %swap3A_361 : i32 to index
    %swap3A_363 = arith.constant 48 : index
    %swap3A_364 = tpu.vector_load %arg10[%swap3A_362, %swap3A_363] {strides = array<i32>} : memref<8x128xf32, #tpu.memory_space<vmem>>, vector<1x16xf32>,
    %swap3A_365 = vector.shape_cast %swap3A_364 : vector<1x16xf32> to vector<16xf32>
    %swap3A_366 = vector.shape_cast %broadcast_in_dim3A_7 : vector<16xf32> to vector<1x16xf32>
    tpu.vector_store %arg10[%swap3A_362, %swap3A_363], %swap3A_366 {strides = array<i32>} : memref<8x128xf32, #tpu.memory_space<vmem>>, vector<1x16xf32>,
    %swap3A_367 = arith.constant 7 : i32
    %swap3A_368 = arith.index_cast %swap3A_367 : i32 to index
    %swap3A_369 = arith.constant 64 : index
    %swap3A_370 = tpu.vector_load %arg10[%swap3A_368, %swap3A_369] {strides = array<i32>} : memref<8x128xf32, #tpu.memory_space<vmem>>, vector<1x16xf32>,
    %swap3A_371 = vector.shape_cast %swap3A_370 : vector<1x16xf32> to vector<16xf32>
    %swap3A_372 = vector.shape_cast %broadcast_in_dim3A_7 : vector<16xf32> to vector<1x16xf32>
    tpu.vector_store %arg10[%swap3A_368, %swap3A_369], %swap3A_372 {strides = array<i32>} : memref<8x128xf32, #tpu.memory_space<vmem>>, vector<1x16xf32>,
    %swap3A_373 = arith.constant 7 : i32
    %swap3A_374 = arith.index_cast %swap3A_373 : i32 to index
    %swap3A_375 = arith.constant 80 : index
    %swap3A_376 = tpu.vector_load %arg10[%swap3A_374, %swap3A_375] {strides = array<i32>} : memref<8x128xf32, #tpu.memory_space<vmem>>, vector<1x16xf32>,
    %swap3A_377 = vector.shape_cast %swap3A_376 : vector<1x16xf32> to vector<16xf32>
    %swap3A_378 = vector.shape_cast %broadcast_in_dim3A_7 : vector<16xf32> to vector<1x16xf32>
    tpu.vector_store %arg10[%swap3A_374, %swap3A_375], %swap3A_378 {strides = array<i32>} : memref<8x128xf32, #tpu.memory_space<vmem>>, vector<1x16xf32>,
    %swap3A_379 = arith.constant 7 : i32
    %swap3A_380 = arith.index_cast %swap3A_379 : i32 to index
    %swap3A_381 = arith.constant 96 : index
    %swap3A_382 = tpu.vector_load %arg10[%swap3A_380, %swap3A_381] {strides = array<i32>} : memref<8x128xf32, #tpu.memory_space<vmem>>, vector<1x16xf32>,
    %swap3A_383 = vector.shape_cast %swap3A_382 : vector<1x16xf32> to vector<16xf32>
    %swap3A_384 = vector.shape_cast %broadcast_in_dim3A_7 : vector<16xf32> to vector<1x16xf32>
    tpu.vector_store %arg10[%swap3A_380, %swap3A_381], %swap3A_384 {strides = array<i32>} : memref<8x128xf32, #tpu.memory_space<vmem>>, vector<1x16xf32>,
    %swap3A_385 = arith.constant 7 : i32
    %swap3A_386 = arith.index_cast %swap3A_385 : i32 to index
    %swap3A_387 = arith.constant 112 : index
    %swap3A_388 = tpu.vector_load %arg10[%swap3A_386, %swap3A_387] {strides = array<i32>} : memref<8x128xf32, #tpu.memory_space<vmem>>, vector<1x16xf32>,
    %swap3A_389 = vector.shape_cast %swap3A_388 : vector<1x16xf32> to vector<16xf32>
    %swap3A_390 = vector.shape_cast %broadcast_in_dim3A_7 : vector<16xf32> to vector<1x16xf32>
    tpu.vector_store %arg10[%swap3A_386, %swap3A_387], %swap3A_390 {strides = array<i32>} : memref<8x128xf32, #tpu.memory_space<vmem>>, vector<1x16xf32>,
    %lt3A = arith.constant 12 : i32
    %lt3A_391 = arith.cmpi slt, %arg1, %lt3A : i32
    %convert_element_type3A = arith.extui %lt3A_391 : i1 to i32
    %cond3A = arith.constant 0 : i32
    %cond3A_392 = arith.cmpi ne, %convert_element_type3A, %cond3A : i32
    scf.if %cond3A_392 {
      "tpu.region"() ({
        %run_scoped3A = tpu.sem_alloc : memref<!tpu.dma_semaphore, #tpu.memory_space<semaphore_mem>>
        %dma_start3A_523 = arith.constant 0 : i32
        %dma_start3A_524 = tpu.memref_slice %arg11[%multiple_of3A_3, %dma_start3A_523] : memref<96x128xf32, #tpu.memory_space<vmem_shared>> -> memref<8x128xf32, #tpu.memory_space<vmem_shared>>
        %dma_start3A_525 = arith.constant 0 : i32
        %dma_start3A_526 = tpu.memref_slice %arg11[%multiple_of3A_3, %dma_start3A_525] : memref<96x128xf32, #tpu.memory_space<vmem_shared>> -> memref<8x128xf32, #tpu.memory_space<vmem_shared>>
        tpu.enqueue_dma source(%arg10 : memref<8x128xf32, #tpu.memory_space<vmem>>) target(%dma_start3A_526 : memref<8x128xf32, #tpu.memory_space<vmem_shared>>) target_semaphore(%run_scoped3A : memref<!tpu.dma_semaphore, #tpu.memory_space<semaphore_mem>>)
        %dma_wait3A_527 = arith.constant 0 : i32
        %dma_wait3A_528 = tpu.memref_slice %arg11[%multiple_of3A_3, %dma_wait3A_527] : memref<96x128xf32, #tpu.memory_space<vmem_shared>> -> memref<8x128xf32, #tpu.memory_space<vmem_shared>>
        %dma_wait3A_529 = arith.constant 0 : i32
        %dma_wait3A_530 = tpu.memref_slice %arg11[%multiple_of3A_3, %dma_wait3A_529] : memref<96x128xf32, #tpu.memory_space<vmem_shared>> -> memref<8x128xf32, #tpu.memory_space<vmem_shared>>
        tpu.wait_dma2 semaphore(%run_scoped3A : memref<!tpu.dma_semaphore, #tpu.memory_space<semaphore_mem>>) src(%arg10 : memref<8x128xf32, #tpu.memory_space<vmem>>) dst(%dma_wait3A_530 : memref<8x128xf32, #tpu.memory_space<vmem_shared>>)
        tpu.yield
      }) : () -> ()
    } else {
    }
    %dma_start3A = tpu.memref_slice %arg3[%multiple_of3A_6] : memref<160000xi32, #tpu.memory_space<hbm>> -> memref<8704xi32, #tpu.memory_space<hbm>>
    %dma_start3A_393 = tpu.memref_slice %arg3[%multiple_of3A_6] : memref<160000xi32, #tpu.memory_space<hbm>> -> memref<8704xi32, #tpu.memory_space<hbm>>
    tpu.enqueue_dma source(%dma_start3A_393 : memref<8704xi32, #tpu.memory_space<hbm>>) target(%arg9 : memref<8704xi32, #tpu.memory_space<vmem>>) target_semaphore(%arg20 : memref<!tpu.dma_semaphore, #tpu.memory_space<semaphore_mem>>)
    %barrier3A = arith.constant 0 : index
    tpu.barrier barrier_id(%barrier3A)
    %dma_wait3A = tpu.memref_slice %arg3[%multiple_of3A_6] : memref<160000xi32, #tpu.memory_space<hbm>> -> memref<8704xi32, #tpu.memory_space<hbm>>
    %dma_wait3A_394 = tpu.memref_slice %arg3[%multiple_of3A_6] : memref<160000xi32, #tpu.memory_space<hbm>> -> memref<8704xi32, #tpu.memory_space<hbm>>
    tpu.wait_dma2 semaphore(%arg20 : memref<!tpu.dma_semaphore, #tpu.memory_space<semaphore_mem>>) src(%dma_wait3A_394 : memref<8704xi32, #tpu.memory_space<hbm>>) dst(%arg9 : memref<8704xi32, #tpu.memory_space<vmem>>)
    %scan3A = arith.constant 0 : i32
    %scan3A_395 = arith.constant 0 : i32
    %scan3A_396 = arith.constant 544 : i32
    %scan3A_397 = arith.addi %scan3A_395, %scan3A_396 : i32
    %scan3A_398 = arith.constant 1 : i32
    scf.for %scan3A_523 = %scan3A_395 to %scan3A_397 step %scan3A_398  : i32 {
      %mul3A_524 = arith.constant 16 : i32
      %mul3A_525 = arith.muli %scan3A_523, %mul3A_524 : i32
      %get3A = arith.index_cast %mul3A_525 : i32 to index
      %get3A_526 = tpu.vector_load %arg9[%get3A] {strides = array<i32>} : memref<8704xi32, #tpu.memory_space<vmem>>, vector<16xi32>,
      %get3A_527 = vector.shape_cast %get3A_526 : vector<16xi32> to vector<16xi32>
      %sub3A = arith.constant 3 : i32
      %sub3A_528 = vector.broadcast %sub3A : i32 to vector<16xi32>
      %sub3A_529 = arith.subi %get3A_527, %sub3A_528 : vector<16xi32>
      %lt3A_530 = arith.constant 0 : i32
      %lt3A_531 = vector.broadcast %lt3A_530 : i32 to vector<16xi32>
      %lt3A_532 = arith.cmpi slt, %sub3A_529, %lt3A_531 : vector<16xi32>
      %gt3A = arith.constant 92 : i32
      %gt3A_533 = vector.broadcast %gt3A : i32 to vector<16xi32>
      %gt3A_534 = arith.cmpi sgt, %sub3A_529, %gt3A_533 : vector<16xi32>
      %or3A = arith.ori %lt3A_532, %gt3A_534 : vector<16xi1>
      %jit3A = arith.constant 93 : i32
      %broadcast_in_dim3A_535 = vector.broadcast %jit3A : i32 to vector<16xi32>
      %select_n3A = arith.select %or3A, %broadcast_in_dim3A_535, %sub3A_529 : vector<16xi1>, vector<16xi32>
      %mul3A_536 = arith.constant 16 : i32
      %mul3A_537 = arith.muli %scan3A_523, %mul3A_536 : i32
      %swap3A_538 = arith.index_cast %mul3A_537 : i32 to index
      %swap3A_539 = tpu.vector_load %arg9[%swap3A_538] {strides = array<i32>} : memref<8704xi32, #tpu.memory_space<vmem>>, vector<16xi32>,
      %swap3A_540 = vector.shape_cast %swap3A_539 : vector<16xi32> to vector<16xi32>
      %swap3A_541 = vector.shape_cast %select_n3A : vector<16xi32> to vector<16xi32>
      tpu.vector_store %arg9[%swap3A_538], %swap3A_541 {strides = array<i32>} : memref<8704xi32, #tpu.memory_space<vmem>>, vector<16xi32>,
    }
    %scan3A_399 = arith.constant 544 : i32
    %mul3A_400 = arith.constant 68 : i32
    %mul3A_401 = arith.muli %arg1, %mul3A_400 : i32
    %add3A = arith.constant 0 : i32
    %add3A_402 = arith.addi %mul3A_401, %add3A : i32
    %mul3A_403 = arith.constant 128 : i32
    %mul3A_404 = arith.muli %add3A_402, %mul3A_403 : i32
    %multiple_of3A_405 = tpu.assume_multiple %mul3A_404, 128 : i32
    %dma_start3A_406 = tpu.memref_slice %arg2[%multiple_of3A_405, %multiple_of3A] : memref<160000x256xf32, #tpu.memory_space<hbm>> -> memref<128x128xf32, #tpu.memory_space<hbm>>
    %dma_start3A_407 = tpu.memref_slice %arg2[%multiple_of3A_405, %multiple_of3A] : memref<160000x256xf32, #tpu.memory_space<hbm>> -> memref<128x128xf32, #tpu.memory_space<hbm>>
    tpu.enqueue_dma source(%dma_start3A_407 : memref<128x128xf32, #tpu.memory_space<hbm>>) target(%arg5 : memref<128x128xf32, #tpu.memory_space<vmem>>) target_semaphore(%arg12 : memref<!tpu.dma_semaphore, #tpu.memory_space<semaphore_mem>>)
    %mul3A_408 = arith.constant 68 : i32
    %mul3A_409 = arith.muli %arg1, %mul3A_408 : i32
    %add3A_410 = arith.constant 1 : i32
    %add3A_411 = arith.addi %mul3A_409, %add3A_410 : i32
    %mul3A_412 = arith.constant 128 : i32
    %mul3A_413 = arith.muli %add3A_411, %mul3A_412 : i32
    %multiple_of3A_414 = tpu.assume_multiple %mul3A_413, 128 : i32
    %dma_start3A_415 = tpu.memref_slice %arg2[%multiple_of3A_414, %multiple_of3A] : memref<160000x256xf32, #tpu.memory_space<hbm>> -> memref<128x128xf32, #tpu.memory_space<hbm>>
    %dma_start3A_416 = tpu.memref_slice %arg2[%multiple_of3A_414, %multiple_of3A] : memref<160000x256xf32, #tpu.memory_space<hbm>> -> memref<128x128xf32, #tpu.memory_space<hbm>>
    tpu.enqueue_dma source(%dma_start3A_416 : memref<128x128xf32, #tpu.memory_space<hbm>>) target(%arg6 : memref<128x128xf32, #tpu.memory_space<vmem>>) target_semaphore(%arg13 : memref<!tpu.dma_semaphore, #tpu.memory_space<semaphore_mem>>)
    %mul3A_417 = arith.constant 68 : i32
    %mul3A_418 = arith.muli %arg1, %mul3A_417 : i32
    %add3A_419 = arith.constant 2 : i32
    %add3A_420 = arith.addi %mul3A_418, %add3A_419 : i32
    %mul3A_421 = arith.constant 128 : i32
    %mul3A_422 = arith.muli %add3A_420, %mul3A_421 : i32
    %multiple_of3A_423 = tpu.assume_multiple %mul3A_422, 128 : i32
    %dma_start3A_424 = tpu.memref_slice %arg2[%multiple_of3A_423, %multiple_of3A] : memref<160000x256xf32, #tpu.memory_space<hbm>> -> memref<128x128xf32, #tpu.memory_space<hbm>>
    %dma_start3A_425 = tpu.memref_slice %arg2[%multiple_of3A_423, %multiple_of3A] : memref<160000x256xf32, #tpu.memory_space<hbm>> -> memref<128x128xf32, #tpu.memory_space<hbm>>
    tpu.enqueue_dma source(%dma_start3A_425 : memref<128x128xf32, #tpu.memory_space<hbm>>) target(%arg7 : memref<128x128xf32, #tpu.memory_space<vmem>>) target_semaphore(%arg14 : memref<!tpu.dma_semaphore, #tpu.memory_space<semaphore_mem>>)
    %mul3A_426 = arith.constant 68 : i32
    %mul3A_427 = arith.muli %arg1, %mul3A_426 : i32
    %add3A_428 = arith.constant 3 : i32
    %add3A_429 = arith.addi %mul3A_427, %add3A_428 : i32
    %mul3A_430 = arith.constant 128 : i32
    %mul3A_431 = arith.muli %add3A_429, %mul3A_430 : i32
    %multiple_of3A_432 = tpu.assume_multiple %mul3A_431, 128 : i32
    %dma_start3A_433 = tpu.memref_slice %arg2[%multiple_of3A_432, %multiple_of3A] : memref<160000x256xf32, #tpu.memory_space<hbm>> -> memref<128x128xf32, #tpu.memory_space<hbm>>
    %dma_start3A_434 = tpu.memref_slice %arg2[%multiple_of3A_432, %multiple_of3A] : memref<160000x256xf32, #tpu.memory_space<hbm>> -> memref<128x128xf32, #tpu.memory_space<hbm>>
    tpu.enqueue_dma source(%dma_start3A_434 : memref<128x128xf32, #tpu.memory_space<hbm>>) target(%arg8 : memref<128x128xf32, #tpu.memory_space<vmem>>) target_semaphore(%arg15 : memref<!tpu.dma_semaphore, #tpu.memory_space<semaphore_mem>>)
    %scan3A_435 = arith.constant 0 : i32
    %scan3A_436 = arith.constant 0 : i32
    %scan3A_437 = arith.constant 16 : i32
    %scan3A_438 = arith.addi %scan3A_436, %scan3A_437 : i32
    %scan3A_439 = arith.constant 1 : i32
    scf.for %scan3A_523 = %scan3A_436 to %scan3A_438 step %scan3A_439  : i32 {
      %mul3A_524 = arith.constant 4 : i32
      %mul3A_525 = arith.muli %mul3A_524, %scan3A_523 : i32
      %mul3A_526 = arith.constant 68 : i32
      %mul3A_527 = arith.muli %arg1, %mul3A_526 : i32
      %add3A_528 = arith.addi %mul3A_527, %mul3A_525 : i32
      %mul3A_529 = arith.constant 128 : i32
      %mul3A_530 = arith.muli %add3A_528, %mul3A_529 : i32
      %multiple_of3A_531 = tpu.assume_multiple %mul3A_530, 128 : i32
      %dma_wait3A_532 = tpu.memref_slice %arg2[%multiple_of3A_531, %multiple_of3A] : memref<160000x256xf32, #tpu.memory_space<hbm>> -> memref<128x128xf32, #tpu.memory_space<hbm>>
      %dma_wait3A_533 = tpu.memref_slice %arg2[%multiple_of3A_531, %multiple_of3A] : memref<160000x256xf32, #tpu.memory_space<hbm>> -> memref<128x128xf32, #tpu.memory_space<hbm>>
      tpu.wait_dma2 semaphore(%arg12 : memref<!tpu.dma_semaphore, #tpu.memory_space<semaphore_mem>>) src(%dma_wait3A_533 : memref<128x128xf32, #tpu.memory_space<hbm>>) dst(%arg5 : memref<128x128xf32, #tpu.memory_space<vmem>>)
      %mul3A_534 = arith.constant 128 : i32
      %mul3A_535 = arith.muli %mul3A_525, %mul3A_534 : i32
      %dma_start3A_536 = tpu.memref_slice %arg9[%mul3A_535] : memref<8704xi32, #tpu.memory_space<vmem>> -> memref<128xi32, #tpu.memory_space<vmem>>
      %dma_start3A_537 = arith.constant 0 : i32
      %dma_start3A_538 = arith.constant 0 : i32
      %dma_start3A_539 = tpu.memref_slice %arg11[%dma_start3A_537, %dma_start3A_538] : memref<96x128xf32, #tpu.memory_space<vmem_shared>> -> memref<96x128xf32, #tpu.memory_space<vmem_shared>>
      tpu.enqueue_indirect_dma source(%arg5 : memref<128x128xf32, #tpu.memory_space<vmem>>) target(%dma_start3A_539 : memref<96x128xf32, #tpu.memory_space<vmem_shared>>) offsets(%dma_start3A_536 : memref<128xi32, #tpu.memory_space<vmem>>) semaphore(%arg16 : memref<!tpu.dma_semaphore, #tpu.memory_space<semaphore_mem>>) {add = true}
      %add3A_540 = arith.constant 1 : i32
      %add3A_541 = arith.addi %mul3A_525, %add3A_540 : i32
      %mul3A_542 = arith.constant 68 : i32
      %mul3A_543 = arith.muli %arg1, %mul3A_542 : i32
      %add3A_544 = arith.addi %mul3A_543, %add3A_541 : i32
      %mul3A_545 = arith.constant 128 : i32
      %mul3A_546 = arith.muli %add3A_544, %mul3A_545 : i32
      %multiple_of3A_547 = tpu.assume_multiple %mul3A_546, 128 : i32
      %dma_wait3A_548 = tpu.memref_slice %arg2[%multiple_of3A_547, %multiple_of3A] : memref<160000x256xf32, #tpu.memory_space<hbm>> -> memref<128x128xf32, #tpu.memory_space<hbm>>
      %dma_wait3A_549 = tpu.memref_slice %arg2[%multiple_of3A_547, %multiple_of3A] : memref<160000x256xf32, #tpu.memory_space<hbm>> -> memref<128x128xf32, #tpu.memory_space<hbm>>
      tpu.wait_dma2 semaphore(%arg13 : memref<!tpu.dma_semaphore, #tpu.memory_space<semaphore_mem>>) src(%dma_wait3A_549 : memref<128x128xf32, #tpu.memory_space<hbm>>) dst(%arg6 : memref<128x128xf32, #tpu.memory_space<vmem>>)
      %add3A_550 = arith.constant 1 : i32
      %add3A_551 = arith.addi %mul3A_525, %add3A_550 : i32
      %mul3A_552 = arith.constant 128 : i32
      %mul3A_553 = arith.muli %add3A_551, %mul3A_552 : i32
      %dma_start3A_554 = tpu.memref_slice %arg9[%mul3A_553] : memref<8704xi32, #tpu.memory_space<vmem>> -> memref<128xi32, #tpu.memory_space<vmem>>
      %dma_start3A_555 = arith.constant 0 : i32
      %dma_start3A_556 = arith.constant 0 : i32
      %dma_start3A_557 = tpu.memref_slice %arg11[%dma_start3A_555, %dma_start3A_556] : memref<96x128xf32, #tpu.memory_space<vmem_shared>> -> memref<96x128xf32, #tpu.memory_space<vmem_shared>>
      tpu.enqueue_indirect_dma source(%arg6 : memref<128x128xf32, #tpu.memory_space<vmem>>) target(%dma_start3A_557 : memref<96x128xf32, #tpu.memory_space<vmem_shared>>) offsets(%dma_start3A_554 : memref<128xi32, #tpu.memory_space<vmem>>) semaphore(%arg17 : memref<!tpu.dma_semaphore, #tpu.memory_space<semaphore_mem>>) {add = true}
      %add3A_558 = arith.constant 2 : i32
      %add3A_559 = arith.addi %mul3A_525, %add3A_558 : i32
      %mul3A_560 = arith.constant 68 : i32
      %mul3A_561 = arith.muli %arg1, %mul3A_560 : i32
      %add3A_562 = arith.addi %mul3A_561, %add3A_559 : i32
      %mul3A_563 = arith.constant 128 : i32
      %mul3A_564 = arith.muli %add3A_562, %mul3A_563 : i32
      %multiple_of3A_565 = tpu.assume_multiple %mul3A_564, 128 : i32
      %dma_wait3A_566 = tpu.memref_slice %arg2[%multiple_of3A_565, %multiple_of3A] : memref<160000x256xf32, #tpu.memory_space<hbm>> -> memref<128x128xf32, #tpu.memory_space<hbm>>
      %dma_wait3A_567 = tpu.memref_slice %arg2[%multiple_of3A_565, %multiple_of3A] : memref<160000x256xf32, #tpu.memory_space<hbm>> -> memref<128x128xf32, #tpu.memory_space<hbm>>
      tpu.wait_dma2 semaphore(%arg14 : memref<!tpu.dma_semaphore, #tpu.memory_space<semaphore_mem>>) src(%dma_wait3A_567 : memref<128x128xf32, #tpu.memory_space<hbm>>) dst(%arg7 : memref<128x128xf32, #tpu.memory_space<vmem>>)
      %add3A_568 = arith.constant 2 : i32
      %add3A_569 = arith.addi %mul3A_525, %add3A_568 : i32
      %mul3A_570 = arith.constant 128 : i32
      %mul3A_571 = arith.muli %add3A_569, %mul3A_570 : i32
      %dma_start3A_572 = tpu.memref_slice %arg9[%mul3A_571] : memref<8704xi32, #tpu.memory_space<vmem>> -> memref<128xi32, #tpu.memory_space<vmem>>
      %dma_start3A_573 = arith.constant 0 : i32
      %dma_start3A_574 = arith.constant 0 : i32
      %dma_start3A_575 = tpu.memref_slice %arg11[%dma_start3A_573, %dma_start3A_574] : memref<96x128xf32, #tpu.memory_space<vmem_shared>> -> memref<96x128xf32, #tpu.memory_space<vmem_shared>>
      tpu.enqueue_indirect_dma source(%arg7 : memref<128x128xf32, #tpu.memory_space<vmem>>) target(%dma_start3A_575 : memref<96x128xf32, #tpu.memory_space<vmem_shared>>) offsets(%dma_start3A_572 : memref<128xi32, #tpu.memory_space<vmem>>) semaphore(%arg18 : memref<!tpu.dma_semaphore, #tpu.memory_space<semaphore_mem>>) {add = true}
      %add3A_576 = arith.constant 3 : i32
      %add3A_577 = arith.addi %mul3A_525, %add3A_576 : i32
      %mul3A_578 = arith.constant 68 : i32
      %mul3A_579 = arith.muli %arg1, %mul3A_578 : i32
      %add3A_580 = arith.addi %mul3A_579, %add3A_577 : i32
      %mul3A_581 = arith.constant 128 : i32
      %mul3A_582 = arith.muli %add3A_580, %mul3A_581 : i32
      %multiple_of3A_583 = tpu.assume_multiple %mul3A_582, 128 : i32
      %dma_wait3A_584 = tpu.memref_slice %arg2[%multiple_of3A_583, %multiple_of3A] : memref<160000x256xf32, #tpu.memory_space<hbm>> -> memref<128x128xf32, #tpu.memory_space<hbm>>
      %dma_wait3A_585 = tpu.memref_slice %arg2[%multiple_of3A_583, %multiple_of3A] : memref<160000x256xf32, #tpu.memory_space<hbm>> -> memref<128x128xf32, #tpu.memory_space<hbm>>
      tpu.wait_dma2 semaphore(%arg15 : memref<!tpu.dma_semaphore, #tpu.memory_space<semaphore_mem>>) src(%dma_wait3A_585 : memref<128x128xf32, #tpu.memory_space<hbm>>) dst(%arg8 : memref<128x128xf32, #tpu.memory_space<vmem>>)
      %add3A_586 = arith.constant 3 : i32
      %add3A_587 = arith.addi %mul3A_525, %add3A_586 : i32
      %mul3A_588 = arith.constant 128 : i32
      %mul3A_589 = arith.muli %add3A_587, %mul3A_588 : i32
      %dma_start3A_590 = tpu.memref_slice %arg9[%mul3A_589] : memref<8704xi32, #tpu.memory_space<vmem>> -> memref<128xi32, #tpu.memory_space<vmem>>
      %dma_start3A_591 = arith.constant 0 : i32
      %dma_start3A_592 = arith.constant 0 : i32
      %dma_start3A_593 = tpu.memref_slice %arg11[%dma_start3A_591, %dma_start3A_592] : memref<96x128xf32, #tpu.memory_space<vmem_shared>> -> memref<96x128xf32, #tpu.memory_space<vmem_shared>>
      tpu.enqueue_indirect_dma source(%arg8 : memref<128x128xf32, #tpu.memory_space<vmem>>) target(%dma_start3A_593 : memref<96x128xf32, #tpu.memory_space<vmem_shared>>) offsets(%dma_start3A_590 : memref<128xi32, #tpu.memory_space<vmem>>) semaphore(%arg19 : memref<!tpu.dma_semaphore, #tpu.memory_space<semaphore_mem>>) {add = true}
      %mul3A_594 = arith.constant 128 : i32
      %mul3A_595 = arith.muli %mul3A_525, %mul3A_594 : i32
      %dma_wait3A_596 = tpu.memref_slice %arg9[%mul3A_595] : memref<8704xi32, #tpu.memory_space<vmem>> -> memref<128xi32, #tpu.memory_space<vmem>>
      %dma_wait3A_597 = arith.constant 0 : i32
      %dma_wait3A_598 = arith.constant 0 : i32
      %dma_wait3A_599 = tpu.memref_slice %arg11[%dma_wait3A_597, %dma_wait3A_598] : memref<96x128xf32, #tpu.memory_space<vmem_shared>> -> memref<96x128xf32, #tpu.memory_space<vmem_shared>>
      tpu.wait_indirect_dma semaphore(%arg16 : memref<!tpu.dma_semaphore, #tpu.memory_space<semaphore_mem>>) src(%arg5 : memref<128x128xf32, #tpu.memory_space<vmem>>) dst(%dma_wait3A_599 : memref<96x128xf32, #tpu.memory_space<vmem_shared>>)
      %add3A_600 = arith.constant 4 : i32
      %add3A_601 = arith.addi %mul3A_525, %add3A_600 : i32
      %mul3A_602 = arith.constant 68 : i32
      %mul3A_603 = arith.muli %arg1, %mul3A_602 : i32
      %add3A_604 = arith.addi %mul3A_603, %add3A_601 : i32
      %mul3A_605 = arith.constant 128 : i32
      %mul3A_606 = arith.muli %add3A_604, %mul3A_605 : i32
      %multiple_of3A_607 = tpu.assume_multiple %mul3A_606, 128 : i32
      %dma_start3A_608 = tpu.memref_slice %arg2[%multiple_of3A_607, %multiple_of3A] : memref<160000x256xf32, #tpu.memory_space<hbm>> -> memref<128x128xf32, #tpu.memory_space<hbm>>
      %dma_start3A_609 = tpu.memref_slice %arg2[%multiple_of3A_607, %multiple_of3A] : memref<160000x256xf32, #tpu.memory_space<hbm>> -> memref<128x128xf32, #tpu.memory_space<hbm>>
      tpu.enqueue_dma source(%dma_start3A_609 : memref<128x128xf32, #tpu.memory_space<hbm>>) target(%arg5 : memref<128x128xf32, #tpu.memory_space<vmem>>) target_semaphore(%arg12 : memref<!tpu.dma_semaphore, #tpu.memory_space<semaphore_mem>>)
      %add3A_610 = arith.constant 1 : i32
      %add3A_611 = arith.addi %mul3A_525, %add3A_610 : i32
      %mul3A_612 = arith.constant 128 : i32
      %mul3A_613 = arith.muli %add3A_611, %mul3A_612 : i32
      %dma_wait3A_614 = tpu.memref_slice %arg9[%mul3A_613] : memref<8704xi32, #tpu.memory_space<vmem>> -> memref<128xi32, #tpu.memory_space<vmem>>
      %dma_wait3A_615 = arith.constant 0 : i32
      %dma_wait3A_616 = arith.constant 0 : i32
      %dma_wait3A_617 = tpu.memref_slice %arg11[%dma_wait3A_615, %dma_wait3A_616] : memref<96x128xf32, #tpu.memory_space<vmem_shared>> -> memref<96x128xf32, #tpu.memory_space<vmem_shared>>
      tpu.wait_indirect_dma semaphore(%arg17 : memref<!tpu.dma_semaphore, #tpu.memory_space<semaphore_mem>>) src(%arg6 : memref<128x128xf32, #tpu.memory_space<vmem>>) dst(%dma_wait3A_617 : memref<96x128xf32, #tpu.memory_space<vmem_shared>>)
      %add3A_618 = arith.constant 5 : i32
      %add3A_619 = arith.addi %mul3A_525, %add3A_618 : i32
      %mul3A_620 = arith.constant 68 : i32
      %mul3A_621 = arith.muli %arg1, %mul3A_620 : i32
      %add3A_622 = arith.addi %mul3A_621, %add3A_619 : i32
      %mul3A_623 = arith.constant 128 : i32
      %mul3A_624 = arith.muli %add3A_622, %mul3A_623 : i32
      %multiple_of3A_625 = tpu.assume_multiple %mul3A_624, 128 : i32
      %dma_start3A_626 = tpu.memref_slice %arg2[%multiple_of3A_625, %multiple_of3A] : memref<160000x256xf32, #tpu.memory_space<hbm>> -> memref<128x128xf32, #tpu.memory_space<hbm>>
      %dma_start3A_627 = tpu.memref_slice %arg2[%multiple_of3A_625, %multiple_of3A] : memref<160000x256xf32, #tpu.memory_space<hbm>> -> memref<128x128xf32, #tpu.memory_space<hbm>>
      tpu.enqueue_dma source(%dma_start3A_627 : memref<128x128xf32, #tpu.memory_space<hbm>>) target(%arg6 : memref<128x128xf32, #tpu.memory_space<vmem>>) target_semaphore(%arg13 : memref<!tpu.dma_semaphore, #tpu.memory_space<semaphore_mem>>)
      %add3A_628 = arith.constant 2 : i32
      %add3A_629 = arith.addi %mul3A_525, %add3A_628 : i32
      %mul3A_630 = arith.constant 128 : i32
      %mul3A_631 = arith.muli %add3A_629, %mul3A_630 : i32
      %dma_wait3A_632 = tpu.memref_slice %arg9[%mul3A_631] : memref<8704xi32, #tpu.memory_space<vmem>> -> memref<128xi32, #tpu.memory_space<vmem>>
      %dma_wait3A_633 = arith.constant 0 : i32
      %dma_wait3A_634 = arith.constant 0 : i32
      %dma_wait3A_635 = tpu.memref_slice %arg11[%dma_wait3A_633, %dma_wait3A_634] : memref<96x128xf32, #tpu.memory_space<vmem_shared>> -> memref<96x128xf32, #tpu.memory_space<vmem_shared>>
      tpu.wait_indirect_dma semaphore(%arg18 : memref<!tpu.dma_semaphore, #tpu.memory_space<semaphore_mem>>) src(%arg7 : memref<128x128xf32, #tpu.memory_space<vmem>>) dst(%dma_wait3A_635 : memref<96x128xf32, #tpu.memory_space<vmem_shared>>)
      %add3A_636 = arith.constant 6 : i32
      %add3A_637 = arith.addi %mul3A_525, %add3A_636 : i32
      %mul3A_638 = arith.constant 68 : i32
      %mul3A_639 = arith.muli %arg1, %mul3A_638 : i32
      %add3A_640 = arith.addi %mul3A_639, %add3A_637 : i32
      %mul3A_641 = arith.constant 128 : i32
      %mul3A_642 = arith.muli %add3A_640, %mul3A_641 : i32
      %multiple_of3A_643 = tpu.assume_multiple %mul3A_642, 128 : i32
      %dma_start3A_644 = tpu.memref_slice %arg2[%multiple_of3A_643, %multiple_of3A] : memref<160000x256xf32, #tpu.memory_space<hbm>> -> memref<128x128xf32, #tpu.memory_space<hbm>>
      %dma_start3A_645 = tpu.memref_slice %arg2[%multiple_of3A_643, %multiple_of3A] : memref<160000x256xf32, #tpu.memory_space<hbm>> -> memref<128x128xf32, #tpu.memory_space<hbm>>
      tpu.enqueue_dma source(%dma_start3A_645 : memref<128x128xf32, #tpu.memory_space<hbm>>) target(%arg7 : memref<128x128xf32, #tpu.memory_space<vmem>>) target_semaphore(%arg14 : memref<!tpu.dma_semaphore, #tpu.memory_space<semaphore_mem>>)
      %add3A_646 = arith.constant 3 : i32
      %add3A_647 = arith.addi %mul3A_525, %add3A_646 : i32
      %mul3A_648 = arith.constant 128 : i32
      %mul3A_649 = arith.muli %add3A_647, %mul3A_648 : i32
      %dma_wait3A_650 = tpu.memref_slice %arg9[%mul3A_649] : memref<8704xi32, #tpu.memory_space<vmem>> -> memref<128xi32, #tpu.memory_space<vmem>>
      %dma_wait3A_651 = arith.constant 0 : i32
      %dma_wait3A_652 = arith.constant 0 : i32
      %dma_wait3A_653 = tpu.memref_slice %arg11[%dma_wait3A_651, %dma_wait3A_652] : memref<96x128xf32, #tpu.memory_space<vmem_shared>> -> memref<96x128xf32, #tpu.memory_space<vmem_shared>>
      tpu.wait_indirect_dma semaphore(%arg19 : memref<!tpu.dma_semaphore, #tpu.memory_space<semaphore_mem>>) src(%arg8 : memref<128x128xf32, #tpu.memory_space<vmem>>) dst(%dma_wait3A_653 : memref<96x128xf32, #tpu.memory_space<vmem_shared>>)
      %add3A_654 = arith.constant 7 : i32
      %add3A_655 = arith.addi %mul3A_525, %add3A_654 : i32
      %mul3A_656 = arith.constant 68 : i32
      %mul3A_657 = arith.muli %arg1, %mul3A_656 : i32
      %add3A_658 = arith.addi %mul3A_657, %add3A_655 : i32
      %mul3A_659 = arith.constant 128 : i32
      %mul3A_660 = arith.muli %add3A_658, %mul3A_659 : i32
      %multiple_of3A_661 = tpu.assume_multiple %mul3A_660, 128 : i32
      %dma_start3A_662 = tpu.memref_slice %arg2[%multiple_of3A_661, %multiple_of3A] : memref<160000x256xf32, #tpu.memory_space<hbm>> -> memref<128x128xf32, #tpu.memory_space<hbm>>
      %dma_start3A_663 = tpu.memref_slice %arg2[%multiple_of3A_661, %multiple_of3A] : memref<160000x256xf32, #tpu.memory_space<hbm>> -> memref<128x128xf32, #tpu.memory_space<hbm>>
      tpu.enqueue_dma source(%dma_start3A_663 : memref<128x128xf32, #tpu.memory_space<hbm>>) target(%arg8 : memref<128x128xf32, #tpu.memory_space<vmem>>) target_semaphore(%arg15 : memref<!tpu.dma_semaphore, #tpu.memory_space<semaphore_mem>>)
    }
    %scan3A_440 = arith.constant 16 : i32
    %mul3A_441 = arith.constant 68 : i32
    %mul3A_442 = arith.muli %arg1, %mul3A_441 : i32
    %add3A_443 = arith.constant 64 : i32
    %add3A_444 = arith.addi %mul3A_442, %add3A_443 : i32
    %mul3A_445 = arith.constant 128 : i32
    %mul3A_446 = arith.muli %add3A_444, %mul3A_445 : i32
    %multiple_of3A_447 = tpu.assume_multiple %mul3A_446, 128 : i32
    %dma_wait3A_448 = tpu.memref_slice %arg2[%multiple_of3A_447, %multiple_of3A] : memref<160000x256xf32, #tpu.memory_space<hbm>> -> memref<128x128xf32, #tpu.memory_space<hbm>>
    %dma_wait3A_449 = tpu.memref_slice %arg2[%multiple_of3A_447, %multiple_of3A] : memref<160000x256xf32, #tpu.memory_space<hbm>> -> memref<128x128xf32, #tpu.memory_space<hbm>>
    tpu.wait_dma2 semaphore(%arg12 : memref<!tpu.dma_semaphore, #tpu.memory_space<semaphore_mem>>) src(%dma_wait3A_449 : memref<128x128xf32, #tpu.memory_space<hbm>>) dst(%arg5 : memref<128x128xf32, #tpu.memory_space<vmem>>)
    %dma_start3A_450 = arith.constant 8192 : i32
    %dma_start3A_451 = tpu.memref_slice %arg9[%dma_start3A_450] : memref<8704xi32, #tpu.memory_space<vmem>> -> memref<128xi32, #tpu.memory_space<vmem>>
    %dma_start3A_452 = arith.constant 0 : i32
    %dma_start3A_453 = arith.constant 0 : i32
    %dma_start3A_454 = tpu.memref_slice %arg11[%dma_start3A_452, %dma_start3A_453] : memref<96x128xf32, #tpu.memory_space<vmem_shared>> -> memref<96x128xf32, #tpu.memory_space<vmem_shared>>
    tpu.enqueue_indirect_dma source(%arg5 : memref<128x128xf32, #tpu.memory_space<vmem>>) target(%dma_start3A_454 : memref<96x128xf32, #tpu.memory_space<vmem_shared>>) offsets(%dma_start3A_451 : memref<128xi32, #tpu.memory_space<vmem>>) semaphore(%arg16 : memref<!tpu.dma_semaphore, #tpu.memory_space<semaphore_mem>>) {add = true}
    %mul3A_455 = arith.constant 68 : i32
    %mul3A_456 = arith.muli %arg1, %mul3A_455 : i32
    %add3A_457 = arith.constant 65 : i32
    %add3A_458 = arith.addi %mul3A_456, %add3A_457 : i32
    %mul3A_459 = arith.constant 128 : i32
    %mul3A_460 = arith.muli %add3A_458, %mul3A_459 : i32
    %multiple_of3A_461 = tpu.assume_multiple %mul3A_460, 128 : i32
    %dma_wait3A_462 = tpu.memref_slice %arg2[%multiple_of3A_461, %multiple_of3A] : memref<160000x256xf32, #tpu.memory_space<hbm>> -> memref<128x128xf32, #tpu.memory_space<hbm>>
    %dma_wait3A_463 = tpu.memref_slice %arg2[%multiple_of3A_461, %multiple_of3A] : memref<160000x256xf32, #tpu.memory_space<hbm>> -> memref<128x128xf32, #tpu.memory_space<hbm>>
    tpu.wait_dma2 semaphore(%arg13 : memref<!tpu.dma_semaphore, #tpu.memory_space<semaphore_mem>>) src(%dma_wait3A_463 : memref<128x128xf32, #tpu.memory_space<hbm>>) dst(%arg6 : memref<128x128xf32, #tpu.memory_space<vmem>>)
    %dma_start3A_464 = arith.constant 8320 : i32
    %dma_start3A_465 = tpu.memref_slice %arg9[%dma_start3A_464] : memref<8704xi32, #tpu.memory_space<vmem>> -> memref<128xi32, #tpu.memory_space<vmem>>
    %dma_start3A_466 = arith.constant 0 : i32
    %dma_start3A_467 = arith.constant 0 : i32
    %dma_start3A_468 = tpu.memref_slice %arg11[%dma_start3A_466, %dma_start3A_467] : memref<96x128xf32, #tpu.memory_space<vmem_shared>> -> memref<96x128xf32, #tpu.memory_space<vmem_shared>>
    tpu.enqueue_indirect_dma source(%arg6 : memref<128x128xf32, #tpu.memory_space<vmem>>) target(%dma_start3A_468 : memref<96x128xf32, #tpu.memory_space<vmem_shared>>) offsets(%dma_start3A_465 : memref<128xi32, #tpu.memory_space<vmem>>) semaphore(%arg17 : memref<!tpu.dma_semaphore, #tpu.memory_space<semaphore_mem>>) {add = true}
    %mul3A_469 = arith.constant 68 : i32
    %mul3A_470 = arith.muli %arg1, %mul3A_469 : i32
    %add3A_471 = arith.constant 66 : i32
    %add3A_472 = arith.addi %mul3A_470, %add3A_471 : i32
    %mul3A_473 = arith.constant 128 : i32
    %mul3A_474 = arith.muli %add3A_472, %mul3A_473 : i32
    %multiple_of3A_475 = tpu.assume_multiple %mul3A_474, 128 : i32
    %dma_wait3A_476 = tpu.memref_slice %arg2[%multiple_of3A_475, %multiple_of3A] : memref<160000x256xf32, #tpu.memory_space<hbm>> -> memref<128x128xf32, #tpu.memory_space<hbm>>
    %dma_wait3A_477 = tpu.memref_slice %arg2[%multiple_of3A_475, %multiple_of3A] : memref<160000x256xf32, #tpu.memory_space<hbm>> -> memref<128x128xf32, #tpu.memory_space<hbm>>
    tpu.wait_dma2 semaphore(%arg14 : memref<!tpu.dma_semaphore, #tpu.memory_space<semaphore_mem>>) src(%dma_wait3A_477 : memref<128x128xf32, #tpu.memory_space<hbm>>) dst(%arg7 : memref<128x128xf32, #tpu.memory_space<vmem>>)
    %dma_start3A_478 = arith.constant 8448 : i32
    %dma_start3A_479 = tpu.memref_slice %arg9[%dma_start3A_478] : memref<8704xi32, #tpu.memory_space<vmem>> -> memref<128xi32, #tpu.memory_space<vmem>>
    %dma_start3A_480 = arith.constant 0 : i32
    %dma_start3A_481 = arith.constant 0 : i32
    %dma_start3A_482 = tpu.memref_slice %arg11[%dma_start3A_480, %dma_start3A_481] : memref<96x128xf32, #tpu.memory_space<vmem_shared>> -> memref<96x128xf32, #tpu.memory_space<vmem_shared>>
    tpu.enqueue_indirect_dma source(%arg7 : memref<128x128xf32, #tpu.memory_space<vmem>>) target(%dma_start3A_482 : memref<96x128xf32, #tpu.memory_space<vmem_shared>>) offsets(%dma_start3A_479 : memref<128xi32, #tpu.memory_space<vmem>>) semaphore(%arg18 : memref<!tpu.dma_semaphore, #tpu.memory_space<semaphore_mem>>) {add = true}
    %mul3A_483 = arith.constant 68 : i32
    %mul3A_484 = arith.muli %arg1, %mul3A_483 : i32
    %add3A_485 = arith.constant 67 : i32
    %add3A_486 = arith.addi %mul3A_484, %add3A_485 : i32
    %mul3A_487 = arith.constant 128 : i32
    %mul3A_488 = arith.muli %add3A_486, %mul3A_487 : i32
    %multiple_of3A_489 = tpu.assume_multiple %mul3A_488, 128 : i32
    %dma_wait3A_490 = tpu.memref_slice %arg2[%multiple_of3A_489, %multiple_of3A] : memref<160000x256xf32, #tpu.memory_space<hbm>> -> memref<128x128xf32, #tpu.memory_space<hbm>>
    %dma_wait3A_491 = tpu.memref_slice %arg2[%multiple_of3A_489, %multiple_of3A] : memref<160000x256xf32, #tpu.memory_space<hbm>> -> memref<128x128xf32, #tpu.memory_space<hbm>>
    tpu.wait_dma2 semaphore(%arg15 : memref<!tpu.dma_semaphore, #tpu.memory_space<semaphore_mem>>) src(%dma_wait3A_491 : memref<128x128xf32, #tpu.memory_space<hbm>>) dst(%arg8 : memref<128x128xf32, #tpu.memory_space<vmem>>)
    %dma_start3A_492 = arith.constant 8576 : i32
    %dma_start3A_493 = tpu.memref_slice %arg9[%dma_start3A_492] : memref<8704xi32, #tpu.memory_space<vmem>> -> memref<128xi32, #tpu.memory_space<vmem>>
    %dma_start3A_494 = arith.constant 0 : i32
    %dma_start3A_495 = arith.constant 0 : i32
    %dma_start3A_496 = tpu.memref_slice %arg11[%dma_start3A_494, %dma_start3A_495] : memref<96x128xf32, #tpu.memory_space<vmem_shared>> -> memref<96x128xf32, #tpu.memory_space<vmem_shared>>
    tpu.enqueue_indirect_dma source(%arg8 : memref<128x128xf32, #tpu.memory_space<vmem>>) target(%dma_start3A_496 : memref<96x128xf32, #tpu.memory_space<vmem_shared>>) offsets(%dma_start3A_493 : memref<128xi32, #tpu.memory_space<vmem>>) semaphore(%arg19 : memref<!tpu.dma_semaphore, #tpu.memory_space<semaphore_mem>>) {add = true}
    %dma_wait3A_497 = arith.constant 8192 : i32
    %dma_wait3A_498 = tpu.memref_slice %arg9[%dma_wait3A_497] : memref<8704xi32, #tpu.memory_space<vmem>> -> memref<128xi32, #tpu.memory_space<vmem>>
    %dma_wait3A_499 = arith.constant 0 : i32
    %dma_wait3A_500 = arith.constant 0 : i32
    %dma_wait3A_501 = tpu.memref_slice %arg11[%dma_wait3A_499, %dma_wait3A_500] : memref<96x128xf32, #tpu.memory_space<vmem_shared>> -> memref<96x128xf32, #tpu.memory_space<vmem_shared>>
    tpu.wait_indirect_dma semaphore(%arg16 : memref<!tpu.dma_semaphore, #tpu.memory_space<semaphore_mem>>) src(%arg5 : memref<128x128xf32, #tpu.memory_space<vmem>>) dst(%dma_wait3A_501 : memref<96x128xf32, #tpu.memory_space<vmem_shared>>)
    %dma_wait3A_502 = arith.constant 8320 : i32
    %dma_wait3A_503 = tpu.memref_slice %arg9[%dma_wait3A_502] : memref<8704xi32, #tpu.memory_space<vmem>> -> memref<128xi32, #tpu.memory_space<vmem>>
    %dma_wait3A_504 = arith.constant 0 : i32
    %dma_wait3A_505 = arith.constant 0 : i32
    %dma_wait3A_506 = tpu.memref_slice %arg11[%dma_wait3A_504, %dma_wait3A_505] : memref<96x128xf32, #tpu.memory_space<vmem_shared>> -> memref<96x128xf32, #tpu.memory_space<vmem_shared>>
    tpu.wait_indirect_dma semaphore(%arg17 : memref<!tpu.dma_semaphore, #tpu.memory_space<semaphore_mem>>) src(%arg6 : memref<128x128xf32, #tpu.memory_space<vmem>>) dst(%dma_wait3A_506 : memref<96x128xf32, #tpu.memory_space<vmem_shared>>)
    %dma_wait3A_507 = arith.constant 8448 : i32
    %dma_wait3A_508 = tpu.memref_slice %arg9[%dma_wait3A_507] : memref<8704xi32, #tpu.memory_space<vmem>> -> memref<128xi32, #tpu.memory_space<vmem>>
    %dma_wait3A_509 = arith.constant 0 : i32
    %dma_wait3A_510 = arith.constant 0 : i32
    %dma_wait3A_511 = tpu.memref_slice %arg11[%dma_wait3A_509, %dma_wait3A_510] : memref<96x128xf32, #tpu.memory_space<vmem_shared>> -> memref<96x128xf32, #tpu.memory_space<vmem_shared>>
    tpu.wait_indirect_dma semaphore(%arg18 : memref<!tpu.dma_semaphore, #tpu.memory_space<semaphore_mem>>) src(%arg7 : memref<128x128xf32, #tpu.memory_space<vmem>>) dst(%dma_wait3A_511 : memref<96x128xf32, #tpu.memory_space<vmem_shared>>)
    %dma_wait3A_512 = arith.constant 8576 : i32
    %dma_wait3A_513 = tpu.memref_slice %arg9[%dma_wait3A_512] : memref<8704xi32, #tpu.memory_space<vmem>> -> memref<128xi32, #tpu.memory_space<vmem>>
    %dma_wait3A_514 = arith.constant 0 : i32
    %dma_wait3A_515 = arith.constant 0 : i32
    %dma_wait3A_516 = tpu.memref_slice %arg11[%dma_wait3A_514, %dma_wait3A_515] : memref<96x128xf32, #tpu.memory_space<vmem_shared>> -> memref<96x128xf32, #tpu.memory_space<vmem_shared>>
    tpu.wait_indirect_dma semaphore(%arg19 : memref<!tpu.dma_semaphore, #tpu.memory_space<semaphore_mem>>) src(%arg8 : memref<128x128xf32, #tpu.memory_space<vmem>>) dst(%dma_wait3A_516 : memref<96x128xf32, #tpu.memory_space<vmem_shared>>)
    %barrier3A_517 = arith.constant 0 : index
    tpu.barrier barrier_id(%barrier3A_517)
    %lt3A_518 = arith.constant 12 : i32
    %lt3A_519 = arith.cmpi slt, %arg1, %lt3A_518 : i32
    %convert_element_type3A_520 = arith.extui %lt3A_519 : i1 to i32
    %cond3A_521 = arith.constant 0 : i32
    %cond3A_522 = arith.cmpi ne, %convert_element_type3A_520, %cond3A_521 : i32
    scf.if %cond3A_522 {
      "tpu.region"() ({
        %run_scoped3A = tpu.sem_alloc : memref<!tpu.dma_semaphore, #tpu.memory_space<semaphore_mem>>
        %dma_start3A_523 = tpu.memref_slice %arg4[%multiple_of3A_3, %multiple_of3A] : memref<96x256xf32, #tpu.memory_space<hbm>> -> memref<8x128xf32, #tpu.memory_space<hbm>>
        %dma_start3A_524 = arith.constant 0 : i32
        %dma_start3A_525 = tpu.memref_slice %arg11[%multiple_of3A_3, %dma_start3A_524] : memref<96x128xf32, #tpu.memory_space<vmem_shared>> -> memref<8x128xf32, #tpu.memory_space<vmem_shared>>
        tpu.enqueue_dma source(%dma_start3A_525 : memref<8x128xf32, #tpu.memory_space<vmem_shared>>) target(%dma_start3A_523 : memref<8x128xf32, #tpu.memory_space<hbm>>) target_semaphore(%run_scoped3A : memref<!tpu.dma_semaphore, #tpu.memory_space<semaphore_mem>>)
        %dma_wait3A_526 = tpu.memref_slice %arg4[%multiple_of3A_3, %multiple_of3A] : memref<96x256xf32, #tpu.memory_space<hbm>> -> memref<8x128xf32, #tpu.memory_space<hbm>>
        %dma_wait3A_527 = arith.constant 0 : i32
        %dma_wait3A_528 = tpu.memref_slice %arg11[%multiple_of3A_3, %dma_wait3A_527] : memref<96x128xf32, #tpu.memory_space<vmem_shared>> -> memref<8x128xf32, #tpu.memory_space<vmem_shared>>
        tpu.wait_dma2 semaphore(%run_scoped3A : memref<!tpu.dma_semaphore, #tpu.memory_space<semaphore_mem>>) src(%dma_wait3A_528 : memref<8x128xf32, #tpu.memory_space<vmem_shared>>) dst(%dma_wait3A_526 : memref<8x128xf32, #tpu.memory_space<hbm>>)
        tpu.yield
      }) : () -> ()
    } else {
    }
    return
  }
}

module attributes {stable_mosaic.version = 14 : i64} {
  func.func @_histo_kernel(%arg0: i32, %arg1: memref<1250x128xi32, #tpu.memory_space<vmem>>, %arg2: memref<8x256xf32, #tpu.memory_space<vmem>>) attributes {dimension_semantics = [#tpu.dimension_semantics<arbitrary>], iteration_bounds = array<i64: 12>, scalar_prefetch = 0 : i64, scratch_operands = 0 : i64, tpu.core_type = #tpu.core_type<tc>, window_params = [{pipeline_mode = #tpu.pipeline_mode<synchronous>, transform_indices = @transform_0, window_bounds = array<i64: 1250, 128>}, {transform_indices = @transform_1, window_bounds = array<i64: 8, 256>}]} {
    %get3A = arith.constant 0 : index
    %get3A_0 = arith.constant 0 : index
    %get3A_1 = vector.load %arg1[%get3A, %get3A_0] : memref<1250x128xi32, #tpu.memory_space<vmem>>, vector<1250x128xi32>
    %mul3A = arith.constant 8 : i32
    %mul3A_2 = arith.muli %arg0, %mul3A : i32
    %add3A = arith.constant 0 : i32
    %add3A_3 = arith.addi %mul3A_2, %add3A : i32
    %add3A_4 = arith.constant 3 : i32
    %add3A_5 = arith.addi %add3A_3, %add3A_4 : i32
    %eq3A = vector.broadcast %add3A_5 : i32 to vector<1250x128xi32>
    %eq3A_6 = arith.cmpi eq, %get3A_1, %eq3A : vector<1250x128xi32>
    %convert_element_type3A = arith.extui %eq3A_6 : vector<1250x128xi1> to vector<1250x128xi32>
    %convert_element_type3A_7 = arith.sitofp %convert_element_type3A : vector<1250x128xi32> to vector<1250x128xf32>
    %reduce_sum3A = vector.shape_cast %convert_element_type3A_7 : vector<1250x128xf32> to vector<1x1250x128xf32>
    %reduce_sum3A_8 = arith.constant dense<0.000000e+00> : vector<1xf32>
    %reduce_sum3A_9 = vector.multi_reduction <add>, %reduce_sum3A, %reduce_sum3A_8 [1, 2] : vector<1x1250x128xf32> to vector<1xf32>
    %reduce_sum3A_10 = vector.shape_cast %reduce_sum3A_9 : vector<1xf32> to vector<1x1x1xf32>
    %reduce_sum3A_11 = vector.extract %reduce_sum3A_10[0, 0, 0] : f32 from vector<1x1x1xf32>
    %broadcast_in_dim3A = vector.broadcast %reduce_sum3A_11 : f32 to vector<256xf32>
    %mul3A_12 = arith.constant 8 : i32
    %mul3A_13 = arith.muli %arg0, %mul3A_12 : i32
    %add3A_14 = arith.constant 1 : i32
    %add3A_15 = arith.addi %mul3A_13, %add3A_14 : i32
    %add3A_16 = arith.constant 3 : i32
    %add3A_17 = arith.addi %add3A_15, %add3A_16 : i32
    %eq3A_18 = vector.broadcast %add3A_17 : i32 to vector<1250x128xi32>
    %eq3A_19 = arith.cmpi eq, %get3A_1, %eq3A_18 : vector<1250x128xi32>
    %convert_element_type3A_20 = arith.extui %eq3A_19 : vector<1250x128xi1> to vector<1250x128xi32>
    %convert_element_type3A_21 = arith.sitofp %convert_element_type3A_20 : vector<1250x128xi32> to vector<1250x128xf32>
    %reduce_sum3A_22 = vector.shape_cast %convert_element_type3A_21 : vector<1250x128xf32> to vector<1x1250x128xf32>
    %reduce_sum3A_23 = arith.constant dense<0.000000e+00> : vector<1xf32>
    %reduce_sum3A_24 = vector.multi_reduction <add>, %reduce_sum3A_22, %reduce_sum3A_23 [1, 2] : vector<1x1250x128xf32> to vector<1xf32>
    %reduce_sum3A_25 = vector.shape_cast %reduce_sum3A_24 : vector<1xf32> to vector<1x1x1xf32>
    %reduce_sum3A_26 = vector.extract %reduce_sum3A_25[0, 0, 0] : f32 from vector<1x1x1xf32>
    %broadcast_in_dim3A_27 = vector.broadcast %reduce_sum3A_26 : f32 to vector<256xf32>
    %mul3A_28 = arith.constant 8 : i32
    %mul3A_29 = arith.muli %arg0, %mul3A_28 : i32
    %add3A_30 = arith.constant 2 : i32
    %add3A_31 = arith.addi %mul3A_29, %add3A_30 : i32
    %add3A_32 = arith.constant 3 : i32
    %add3A_33 = arith.addi %add3A_31, %add3A_32 : i32
    %eq3A_34 = vector.broadcast %add3A_33 : i32 to vector<1250x128xi32>
    %eq3A_35 = arith.cmpi eq, %get3A_1, %eq3A_34 : vector<1250x128xi32>
    %convert_element_type3A_36 = arith.extui %eq3A_35 : vector<1250x128xi1> to vector<1250x128xi32>
    %convert_element_type3A_37 = arith.sitofp %convert_element_type3A_36 : vector<1250x128xi32> to vector<1250x128xf32>
    %reduce_sum3A_38 = vector.shape_cast %convert_element_type3A_37 : vector<1250x128xf32> to vector<1x1250x128xf32>
    %reduce_sum3A_39 = arith.constant dense<0.000000e+00> : vector<1xf32>
    %reduce_sum3A_40 = vector.multi_reduction <add>, %reduce_sum3A_38, %reduce_sum3A_39 [1, 2] : vector<1x1250x128xf32> to vector<1xf32>
    %reduce_sum3A_41 = vector.shape_cast %reduce_sum3A_40 : vector<1xf32> to vector<1x1x1xf32>
    %reduce_sum3A_42 = vector.extract %reduce_sum3A_41[0, 0, 0] : f32 from vector<1x1x1xf32>
    %broadcast_in_dim3A_43 = vector.broadcast %reduce_sum3A_42 : f32 to vector<256xf32>
    %mul3A_44 = arith.constant 8 : i32
    %mul3A_45 = arith.muli %arg0, %mul3A_44 : i32
    %add3A_46 = arith.constant 3 : i32
    %add3A_47 = arith.addi %mul3A_45, %add3A_46 : i32
    %add3A_48 = arith.constant 3 : i32
    %add3A_49 = arith.addi %add3A_47, %add3A_48 : i32
    %eq3A_50 = vector.broadcast %add3A_49 : i32 to vector<1250x128xi32>
    %eq3A_51 = arith.cmpi eq, %get3A_1, %eq3A_50 : vector<1250x128xi32>
    %convert_element_type3A_52 = arith.extui %eq3A_51 : vector<1250x128xi1> to vector<1250x128xi32>
    %convert_element_type3A_53 = arith.sitofp %convert_element_type3A_52 : vector<1250x128xi32> to vector<1250x128xf32>
    %reduce_sum3A_54 = vector.shape_cast %convert_element_type3A_53 : vector<1250x128xf32> to vector<1x1250x128xf32>
    %reduce_sum3A_55 = arith.constant dense<0.000000e+00> : vector<1xf32>
    %reduce_sum3A_56 = vector.multi_reduction <add>, %reduce_sum3A_54, %reduce_sum3A_55 [1, 2] : vector<1x1250x128xf32> to vector<1xf32>
    %reduce_sum3A_57 = vector.shape_cast %reduce_sum3A_56 : vector<1xf32> to vector<1x1x1xf32>
    %reduce_sum3A_58 = vector.extract %reduce_sum3A_57[0, 0, 0] : f32 from vector<1x1x1xf32>
    %broadcast_in_dim3A_59 = vector.broadcast %reduce_sum3A_58 : f32 to vector<256xf32>
    %mul3A_60 = arith.constant 8 : i32
    %mul3A_61 = arith.muli %arg0, %mul3A_60 : i32
    %add3A_62 = arith.constant 4 : i32
    %add3A_63 = arith.addi %mul3A_61, %add3A_62 : i32
    %add3A_64 = arith.constant 3 : i32
    %add3A_65 = arith.addi %add3A_63, %add3A_64 : i32
    %eq3A_66 = vector.broadcast %add3A_65 : i32 to vector<1250x128xi32>
    %eq3A_67 = arith.cmpi eq, %get3A_1, %eq3A_66 : vector<1250x128xi32>
    %convert_element_type3A_68 = arith.extui %eq3A_67 : vector<1250x128xi1> to vector<1250x128xi32>
    %convert_element_type3A_69 = arith.sitofp %convert_element_type3A_68 : vector<1250x128xi32> to vector<1250x128xf32>
    %reduce_sum3A_70 = vector.shape_cast %convert_element_type3A_69 : vector<1250x128xf32> to vector<1x1250x128xf32>
    %reduce_sum3A_71 = arith.constant dense<0.000000e+00> : vector<1xf32>
    %reduce_sum3A_72 = vector.multi_reduction <add>, %reduce_sum3A_70, %reduce_sum3A_71 [1, 2] : vector<1x1250x128xf32> to vector<1xf32>
    %reduce_sum3A_73 = vector.shape_cast %reduce_sum3A_72 : vector<1xf32> to vector<1x1x1xf32>
    %reduce_sum3A_74 = vector.extract %reduce_sum3A_73[0, 0, 0] : f32 from vector<1x1x1xf32>
    %broadcast_in_dim3A_75 = vector.broadcast %reduce_sum3A_74 : f32 to vector<256xf32>
    %mul3A_76 = arith.constant 8 : i32
    %mul3A_77 = arith.muli %arg0, %mul3A_76 : i32
    %add3A_78 = arith.constant 5 : i32
    %add3A_79 = arith.addi %mul3A_77, %add3A_78 : i32
    %add3A_80 = arith.constant 3 : i32
    %add3A_81 = arith.addi %add3A_79, %add3A_80 : i32
    %eq3A_82 = vector.broadcast %add3A_81 : i32 to vector<1250x128xi32>
    %eq3A_83 = arith.cmpi eq, %get3A_1, %eq3A_82 : vector<1250x128xi32>
    %convert_element_type3A_84 = arith.extui %eq3A_83 : vector<1250x128xi1> to vector<1250x128xi32>
    %convert_element_type3A_85 = arith.sitofp %convert_element_type3A_84 : vector<1250x128xi32> to vector<1250x128xf32>
    %reduce_sum3A_86 = vector.shape_cast %convert_element_type3A_85 : vector<1250x128xf32> to vector<1x1250x128xf32>
    %reduce_sum3A_87 = arith.constant dense<0.000000e+00> : vector<1xf32>
    %reduce_sum3A_88 = vector.multi_reduction <add>, %reduce_sum3A_86, %reduce_sum3A_87 [1, 2] : vector<1x1250x128xf32> to vector<1xf32>
    %reduce_sum3A_89 = vector.shape_cast %reduce_sum3A_88 : vector<1xf32> to vector<1x1x1xf32>
    %reduce_sum3A_90 = vector.extract %reduce_sum3A_89[0, 0, 0] : f32 from vector<1x1x1xf32>
    %broadcast_in_dim3A_91 = vector.broadcast %reduce_sum3A_90 : f32 to vector<256xf32>
    %mul3A_92 = arith.constant 8 : i32
    %mul3A_93 = arith.muli %arg0, %mul3A_92 : i32
    %add3A_94 = arith.constant 6 : i32
    %add3A_95 = arith.addi %mul3A_93, %add3A_94 : i32
    %add3A_96 = arith.constant 3 : i32
    %add3A_97 = arith.addi %add3A_95, %add3A_96 : i32
    %eq3A_98 = vector.broadcast %add3A_97 : i32 to vector<1250x128xi32>
    %eq3A_99 = arith.cmpi eq, %get3A_1, %eq3A_98 : vector<1250x128xi32>
    %convert_element_type3A_100 = arith.extui %eq3A_99 : vector<1250x128xi1> to vector<1250x128xi32>
    %convert_element_type3A_101 = arith.sitofp %convert_element_type3A_100 : vector<1250x128xi32> to vector<1250x128xf32>
    %reduce_sum3A_102 = vector.shape_cast %convert_element_type3A_101 : vector<1250x128xf32> to vector<1x1250x128xf32>
    %reduce_sum3A_103 = arith.constant dense<0.000000e+00> : vector<1xf32>
    %reduce_sum3A_104 = vector.multi_reduction <add>, %reduce_sum3A_102, %reduce_sum3A_103 [1, 2] : vector<1x1250x128xf32> to vector<1xf32>
    %reduce_sum3A_105 = vector.shape_cast %reduce_sum3A_104 : vector<1xf32> to vector<1x1x1xf32>
    %reduce_sum3A_106 = vector.extract %reduce_sum3A_105[0, 0, 0] : f32 from vector<1x1x1xf32>
    %broadcast_in_dim3A_107 = vector.broadcast %reduce_sum3A_106 : f32 to vector<256xf32>
    %mul3A_108 = arith.constant 8 : i32
    %mul3A_109 = arith.muli %arg0, %mul3A_108 : i32
    %add3A_110 = arith.constant 7 : i32
    %add3A_111 = arith.addi %mul3A_109, %add3A_110 : i32
    %add3A_112 = arith.constant 3 : i32
    %add3A_113 = arith.addi %add3A_111, %add3A_112 : i32
    %eq3A_114 = vector.broadcast %add3A_113 : i32 to vector<1250x128xi32>
    %eq3A_115 = arith.cmpi eq, %get3A_1, %eq3A_114 : vector<1250x128xi32>
    %convert_element_type3A_116 = arith.extui %eq3A_115 : vector<1250x128xi1> to vector<1250x128xi32>
    %convert_element_type3A_117 = arith.sitofp %convert_element_type3A_116 : vector<1250x128xi32> to vector<1250x128xf32>
    %reduce_sum3A_118 = vector.shape_cast %convert_element_type3A_117 : vector<1250x128xf32> to vector<1x1250x128xf32>
    %reduce_sum3A_119 = arith.constant dense<0.000000e+00> : vector<1xf32>
    %reduce_sum3A_120 = vector.multi_reduction <add>, %reduce_sum3A_118, %reduce_sum3A_119 [1, 2] : vector<1x1250x128xf32> to vector<1xf32>
    %reduce_sum3A_121 = vector.shape_cast %reduce_sum3A_120 : vector<1xf32> to vector<1x1x1xf32>
    %reduce_sum3A_122 = vector.extract %reduce_sum3A_121[0, 0, 0] : f32 from vector<1x1x1xf32>
    %broadcast_in_dim3A_123 = vector.broadcast %reduce_sum3A_122 : f32 to vector<256xf32>
    %stack3A = vector.shape_cast %broadcast_in_dim3A : vector<256xf32> to vector<1x256xf32>
    %stack3A_124 = vector.shape_cast %broadcast_in_dim3A_27 : vector<256xf32> to vector<1x256xf32>
    %stack3A_125 = vector.shape_cast %broadcast_in_dim3A_43 : vector<256xf32> to vector<1x256xf32>
    %stack3A_126 = vector.shape_cast %broadcast_in_dim3A_59 : vector<256xf32> to vector<1x256xf32>
    %stack3A_127 = vector.shape_cast %broadcast_in_dim3A_75 : vector<256xf32> to vector<1x256xf32>
    %stack3A_128 = vector.shape_cast %broadcast_in_dim3A_91 : vector<256xf32> to vector<1x256xf32>
    %stack3A_129 = vector.shape_cast %broadcast_in_dim3A_107 : vector<256xf32> to vector<1x256xf32>
    %stack3A_130 = vector.shape_cast %broadcast_in_dim3A_123 : vector<256xf32> to vector<1x256xf32>
    %stack3A_131 = tpu.concatenate %stack3A, %stack3A_124, %stack3A_125, %stack3A_126, %stack3A_127, %stack3A_128, %stack3A_129, %stack3A_130 in 0 : vector<1x256xf32>, vector<1x256xf32>, vector<1x256xf32>, vector<1x256xf32>, vector<1x256xf32>, vector<1x256xf32>, vector<1x256xf32>, vector<1x256xf32> -> vector<8x256xf32>
    %swap3A = arith.constant 0 : index
    %swap3A_132 = arith.constant 0 : index
    %swap3A_133 = vector.load %arg2[%swap3A, %swap3A_132] : memref<8x256xf32, #tpu.memory_space<vmem>>, vector<8x256xf32>
    tpu.vector_store %arg2[%swap3A, %swap3A_132], %stack3A_131 {strides = array<i32>} : memref<8x256xf32, #tpu.memory_space<vmem>>, vector<8x256xf32>,
    return
  }
  func.func @transform_0(%arg0: i32) -> (i32, i32) {
    %c0_i32 = arith.constant 0 : i32
    %c0_i32_0 = arith.constant 0 : i32
    %c0_i32_1 = arith.constant 0 : i32
    return %c0_i32, %c0_i32_0 : i32, i32
  }
  func.func @transform_1(%arg0: i32) -> (i32, i32) {
    %c0_i32 = arith.constant 0 : i32
    %c0_i32_0 = arith.constant 0 : i32
    return %arg0, %c0_i32 : i32, i32
  }
}

module attributes {stable_mosaic.version = 14 : i64} {
  func.func @_div_kernel(%arg0: memref<96x256xf32, #tpu.memory_space<vmem>>, %arg1: memref<96x256xf32, #tpu.memory_space<vmem>>, %arg2: memref<96x256xf32, #tpu.memory_space<vmem>>, %arg3: memref<96x256xf32, #tpu.memory_space<vmem>>) attributes {dimension_semantics = [], scalar_prefetch = 0 : i64, scratch_operands = 0 : i64, tpu.core_type = #tpu.core_type<tc>} {
    %get3A = arith.constant 0 : index
    %get3A_0 = arith.constant 0 : index
    %get3A_1 = vector.load %arg0[%get3A, %get3A_0] : memref<96x256xf32, #tpu.memory_space<vmem>>, vector<96x256xf32>
    %get3A_2 = arith.constant 0 : index
    %get3A_3 = arith.constant 0 : index
    %get3A_4 = vector.load %arg1[%get3A_2, %get3A_3] : memref<96x256xf32, #tpu.memory_space<vmem>>, vector<96x256xf32>
    %add3A = arith.addf %get3A_1, %get3A_4 : vector<96x256xf32>
    %get3A_5 = arith.constant 0 : index
    %get3A_6 = arith.constant 0 : index
    %get3A_7 = vector.load %arg2[%get3A_5, %get3A_6] : memref<96x256xf32, #tpu.memory_space<vmem>>, vector<96x256xf32>
    %gt3A = arith.constant 0.000000e+00 : f32
    %gt3A_8 = vector.broadcast %gt3A : f32 to vector<96x256xf32>
    %gt3A_9 = arith.cmpf ogt, %get3A_7, %gt3A_8 : vector<96x256xf32>
    %gt3A_10 = arith.constant 0.000000e+00 : f32
    %gt3A_11 = vector.broadcast %gt3A_10 : f32 to vector<96x256xf32>
    %gt3A_12 = arith.cmpf ogt, %get3A_7, %gt3A_11 : vector<96x256xf32>
    %jit3A = arith.constant 1.000000e+00 : f32
    %broadcast_in_dim3A = vector.broadcast %jit3A : f32 to vector<96x256xf32>
    %select_n3A = arith.select %gt3A_12, %get3A_7, %broadcast_in_dim3A : vector<96x256xi1>, vector<96x256xf32>
    %div3A = arith.divf %add3A, %select_n3A : vector<96x256xf32>
    %jit3A_13 = arith.constant 0.000000e+00 : f32
    %broadcast_in_dim3A_14 = vector.broadcast %jit3A_13 : f32 to vector<96x256xf32>
    %select_n3A_15 = arith.select %gt3A_9, %div3A, %broadcast_in_dim3A_14 : vector<96x256xi1>, vector<96x256xf32>
    %swap3A = arith.constant 0 : index
    %swap3A_16 = arith.constant 0 : index
    %swap3A_17 = vector.load %arg3[%swap3A, %swap3A_16] : memref<96x256xf32, #tpu.memory_space<vmem>>, vector<96x256xf32>
    tpu.vector_store %arg3[%swap3A, %swap3A_16], %select_n3A_15 {strides = array<i32>} : memref<96x256xf32, #tpu.memory_space<vmem>>, vector<96x256xf32>,
    return
  }
}

module attributes {stable_mosaic.version = 14 : i64} {
  func.func @_psum_kernel(%arg0: i32, %arg1: memref<1x256xi32, #tpu.memory_space<vmem>>, %arg2: memref<256x256xf32, #tpu.memory_space<vmem>>, %arg3: memref<96x256xf32, #tpu.memory_space<vmem>>) attributes {dimension_semantics = [#tpu.dimension_semantics<arbitrary>], iteration_bounds = array<i64: 81>, scalar_prefetch = 0 : i64, scratch_operands = 0 : i64, tpu.core_type = #tpu.core_type<tc>, window_params = [{transform_indices = @transform_0, window_bounds = array<i64: 1, 256>}, {transform_indices = @transform_1, window_bounds = array<i64: 256, 256>}, {pipeline_mode = #tpu.pipeline_mode<synchronous>, transform_indices = @transform_2, window_bounds = array<i64: 96, 256>}]} {
    %get3A = arith.constant 0 : index
    %get3A_0 = arith.constant 0 : index
    %get3A_1 = vector.load %arg1[%get3A, %get3A_0] : memref<1x256xi32, #tpu.memory_space<vmem>>, vector<1x256xi32>
    %get3A_2 = arith.constant 0 : index
    %get3A_3 = arith.constant 0 : index
    %get3A_4 = vector.load %arg2[%get3A_2, %get3A_3] : memref<256x256xf32, #tpu.memory_space<vmem>>, vector<256x256xf32>
    %iota3A = tpu.iota {dimensions = array<i32: 0>} : vector<96x256xi32>
    %add3A = arith.constant 3 : i32
    %add3A_5 = vector.broadcast %add3A : i32 to vector<96x256xi32>
    %add3A_6 = arith.addi %iota3A, %add3A_5 : vector<96x256xi32>
    %eq3A = vector.broadcast %get3A_1 : vector<1x256xi32> to vector<96x256xi32>
    %eq3A_7 = arith.cmpi eq, %add3A_6, %eq3A : vector<96x256xi32>
    %convert_element_type3A = arith.extui %eq3A_7 : vector<96x256xi1> to vector<96x256xi32>
    %convert_element_type3A_8 = arith.sitofp %convert_element_type3A : vector<96x256xi32> to vector<96x256xf32>
    %dot_general3A = arith.constant dense<0.000000e+00> : vector<96x256xf32>
    %dot_general3A_9 = tpu.matmul %convert_element_type3A_8, %get3A_4, %dot_general3A {dimension_numbers = #tpu.dot_dimension_numbers<[1], [0], [0], [1], [0, 0, 1, 1], [], []>, precision = #tpu.contract_precision<fp32>, transpose_lhs_hint = false} : vector<96x256xf32>, vector<256x256xf32>, vector<96x256xf32> -> vector<96x256xf32>
    %eq3A_10 = arith.constant 0 : i32
    %eq3A_11 = arith.cmpi eq, %arg0, %eq3A_10 : i32
    %convert_element_type3A_12 = arith.extui %eq3A_11 : i1 to i32
    %cond3A = arith.constant 0 : i32
    %cond3A_13 = arith.cmpi ne, %convert_element_type3A_12, %cond3A : i32
    scf.if %cond3A_13 {
      %broadcast_in_dim3A = arith.constant 0.000000e+00 : f32
      %broadcast_in_dim3A_20 = vector.broadcast %broadcast_in_dim3A : f32 to vector<96x256xf32>
      %swap3A_21 = arith.constant 0 : index
      %swap3A_22 = arith.constant 0 : index
      %swap3A_23 = vector.load %arg3[%swap3A_21, %swap3A_22] : memref<96x256xf32, #tpu.memory_space<vmem>>, vector<96x256xf32>
      tpu.vector_store %arg3[%swap3A_21, %swap3A_22], %broadcast_in_dim3A_20 {strides = array<i32>} : memref<96x256xf32, #tpu.memory_space<vmem>>, vector<96x256xf32>,
    } else {
    }
    %get3A_14 = arith.constant 0 : index
    %get3A_15 = arith.constant 0 : index
    %get3A_16 = vector.load %arg3[%get3A_14, %get3A_15] : memref<96x256xf32, #tpu.memory_space<vmem>>, vector<96x256xf32>
    %add3A_17 = arith.addf %get3A_16, %dot_general3A_9 : vector<96x256xf32>
    %swap3A = arith.constant 0 : index
    %swap3A_18 = arith.constant 0 : index
    %swap3A_19 = vector.load %arg3[%swap3A, %swap3A_18] : memref<96x256xf32, #tpu.memory_space<vmem>>, vector<96x256xf32>
    tpu.vector_store %arg3[%swap3A, %swap3A_18], %add3A_17 {strides = array<i32>} : memref<96x256xf32, #tpu.memory_space<vmem>>, vector<96x256xf32>,
    return
  }
  func.func @transform_0(%arg0: i32) -> (i32, i32) {
    %add3A = arith.constant 544 : i32
    %add3A_0 = arith.addi %add3A, %arg0 : i32
    %c0_i32 = arith.constant 0 : i32
    %c0_i32_1 = arith.constant 0 : i32
    return %c0_i32, %add3A_0 : i32, i32
  }
  func.func @transform_1(%arg0: i32) -> (i32, i32) {
    %add3A = arith.constant 544 : i32
    %add3A_0 = arith.addi %add3A, %arg0 : i32
    %c0_i32 = arith.constant 0 : i32
    %c0_i32_1 = arith.constant 0 : i32
    return %add3A_0, %c0_i32 : i32, i32
  }
  func.func @transform_2(%arg0: i32) -> (i32, i32) {
    %c0_i32 = arith.constant 0 : i32
    %c0_i32_0 = arith.constant 0 : i32
    %c0_i32_1 = arith.constant 0 : i32
    return %c0_i32, %c0_i32_0 : i32, i32
  }
}

</mosaic_0001>

<sc_bundles>
// kernel: kernel.6.cloned.1.call-start
scs
__scs_entry_jumppad:
0x0: {  	(pc) =	sbr.rel $0x88, $3  }
0x1: {  	(tag) =	ssettag $0x0;
	lr =	simm.s32 $0x1  }
0x2: {  	[smem:$0x3F9F] =	sst lr;
	_ =	strace $0xD0000000  }
0x3: {  	_ = 	snop  }
0x4: {  	_ = 	snop  }
0x5: {  	_ = 	snop  }
0x6: {  	_ = 	snop  }
0x7: {  	_ = 	snop  }
__scs_overlays_trampoline_lowered:
0x8: {  	[smem:$0x3FAE] =	sst s0  }
0x9: {  	[smem:$0x3FAF] =	sst s1  }
0xa: {  	[smem:$0x3FB0] =	sst s2  }
0xb: {  	[smem:$0x3FB1] =	sst s3  }
0xc: {  	[smem:$0x3FB2] =	sst s4  }
0xd: {  	[smem:$0x3FB3] =	sst s5  }
0xe: {  	[smem:$0x3FB4] =	sst s6  }
0xf: {  	[smem:$0x3FB5] =	sst s7  }
0x10: {  	[smem:$0x3FB6] =	sst s8  }
0x11: {  	[smem:$0x3FB7] =	sst s9;
	s0 =	simm.s32 @!p0 $0x0  }
0x12: {  	s1 =	sld [smem:$0x3F9D];
	s0 =	simm.s32 @p0 $0x1  }
0x13: {  	[smem:$0x3FB8] =	sst s0;
	s0 =	simm.s32 @!p1 $0x0  }
0x14: {  	s2 =	sld [smem:$0x3F9C];
	s0 =	simm.s32 @p1 $0x1  }
0x15: {  	[smem:$0x3FB9] =	sst s0;
	s0 =	simm.s32 @!p2 $0x0  }
0x16: {  	s3 =	sld [smem:$0x3FDB];
	s0 =	simm.s32 @p2 $0x1  }
0x17: {  	s4 =	simm.s32 $0x1BF5;
	[smem:$0x3FBB] =	sst s0  }
0x18: {  	s0 =	sld [smem:$0x3F9E];
	_ =	swait.ge [sflag:s4], $0x0  }
0x19: {  	s7 =	sld [smem:$0x3F9F]  }
0x1a: {  	s8 =	sadd.s32 $0xFFFFE003, lr  }
0x1b: {  	s9 =	sadd.s32 $0xFFFFFEF7, lr;
	s5 =	simm.s32 $0xFFFFFFFF;
	p2 =	slt.u32 s8, $0xFFFFF086  }
0x1c: {  	p1 =	slt.u32 s9, $0xF7A;
	s5 =	simm.s32 @!p2 $0x0  }
0x1d: {  	s5 =	simm.s32 @p1 $0x1;
	p0 =	seq.s32 s7, s2  }
0x1e: {  	s7 =	smul.u32 @!p0 $0xF7A, s2;
	p2 =	seq.s32 @!p0 s5, $0x0  }
0x1f: {  	s9 =	smul.u32 $0xF7A, s1;
	s8 =	simm.s32 @!p0 $0x1BF5;
	p2 =	por !p2, p0  }
0x20: {  	[sflag:s8] =	ssyncset.s32 @!p0 $0xFFFFF086;
	s6 =	sadd.s32 @!p0 s3, s7;
	s7 =	simm.s32 @!p0 $0x108  }
0x21: {  	s3 =	sadd.s32 s3, s9;
	s6 =	sadd.s32 @!p0 $0x88, s6;
	s7 =	simm.s32 @p2 $0x1082  }
0x22: {  	[simem:s7], [sflag:s8] =	dma.local @!p0 [hbm:s6], $0xF7A  }
0x23: {  	s9 =	sor.u32 $0xD0000000, s2;
	s6 =	simm.s32 $0x108;
	_ =	swait.ge @!p0 [sflag:s8], $0x0  }
0x24: {  	s3 =	sadd.s32 $0x88, s3;
	s6 =	simm.s32 @!p1 $0x1082;
	[sflag:s4] =	ssyncset.s32 $0xFFFFF086  }
0x25: {  	[simem:s6], [sflag:s4] =	dma.local [hbm:s3], $0xF7A  }
0x26: {  	[smem:$0x3F9F] =	sst s1;
	(tag) =	ssettag s2;
	_ =	strace s9  }
0x27: {  	s1 =	sld [smem:$0x3FAF]  }
0x28: {  	s2 =	sld [smem:$0x3FB0]  }
0x29: {  	s4 =	sld [smem:$0x3FB2]  }
0x2a: {  	p0 =	seq.s32 s5, $0x0;
	s5 =	sld [smem:$0x3FB3]  }
0x2b: {  	s6 =	sld [smem:$0x3FB4]  }
0x2c: {  	s7 =	sld [smem:$0x3FB5]  }
0x2d: {  	s3 =	simm.s32 $0x108;
	s8 =	sld [smem:$0x3FB6]  }
0x2e: {  	s3 =	simm.s32 @!p0 $0x1082;
	s9 =	sld [smem:$0x3FB7]  }
0x2f: {  	lr =	sadd.s32 s0, s3;
	s0 =	sld [smem:$0x3FAE]  }
0x30: {  	s3 =	sld [smem:$0x3FB1]  }
0x31: {  	[smem:$0x3FBA] =	sst s10  }
0x32: {  	s10 =	sld [smem:$0x3FB8];
	_ =	sdelay $0x3  }
0x33: {  	p0 =	seq.s32 s10, $0x1;
	s10 =	sld [smem:$0x3FBA];
	_ =	sdelay $0x3  }
0x34: {  	[smem:$0x3FBA] =	sst s10  }
0x35: {  	s10 =	sld [smem:$0x3FB9];
	_ =	sdelay $0x3  }
0x36: {  	p1 =	seq.s32 s10, $0x1;
	s10 =	sld [smem:$0x3FBA];
	_ =	sdelay $0x3  }
0x37: {  	[smem:$0x3FBA] =	sst s10  }
0x38: {  	s10 =	sld [smem:$0x3FBB]  }
0x39: {  	_ = 	snop;
	(pc) =	sbr.ind lr, $3  }
0x3a: {  	_ = 	snop  }
0x3b: {  	_ = 	snop  }
0x3c: {  	p2 =	seq.s32 s10, $0x1;
	s10 =	sld [smem:$0x3FBA]  }
0x3d: {  	_ =	shalt  }
0x3e: {  	_ =	shalt  }
0x3f: {  	_ =	shalt  }
0x40: {  	_ =	shalt  }
0x41: {  	_ =	shalt  }
0x42: {  	_ =	shalt  }
0x43: {  	_ =	shalt  }
0x44: {  	_ =	shalt  }
0x45: {  	_ =	shalt  }
0x46: {  	_ =	shalt  }
0x47: {  	_ =	shalt  }
0x48: {  	_ =	shalt  }
0x49: {  	_ =	shalt  }
0x4a: {  	_ =	shalt  }
0x4b: {  	_ =	shalt  }
0x4c: {  	_ =	shalt  }
0x4d: {  	_ =	shalt  }
0x4e: {  	_ =	shalt  }
0x4f: {  	_ =	shalt  }
0x50: {  	_ =	shalt  }
0x51: {  	_ =	shalt  }
0x52: {  	_ =	shalt  }
0x53: {  	_ =	shalt  }
0x54: {  	_ =	shalt  }
0x55: {  	_ =	shalt  }
0x56: {  	_ =	shalt  }
0x57: {  	_ =	shalt  }
0x58: {  	_ =	shalt  }
0x59: {  	_ =	shalt  }
0x5a: {  	_ =	shalt  }
0x5b: {  	_ =	shalt  }
0x5c: {  	_ =	shalt  }
0x5d: {  	_ =	shalt  }
0x5e: {  	_ =	shalt  }
0x5f: {  	_ =	shalt  }
0x60: {  	_ =	shalt  }
0x61: {  	_ =	shalt  }
0x62: {  	_ =	shalt  }
0x63: {  	_ =	shalt  }
0x64: {  	_ =	shalt  }
0x65: {  	_ =	shalt  }
0x66: {  	_ =	shalt  }
0x67: {  	_ =	shalt  }
0x68: {  	_ =	shalt  }
0x69: {  	_ =	shalt  }
0x6a: {  	_ =	shalt  }
0x6b: {  	_ =	shalt  }
0x6c: {  	_ =	shalt  }
0x6d: {  	_ =	shalt  }
0x6e: {  	_ =	shalt  }
0x6f: {  	_ =	shalt  }
0x70: {  	_ =	shalt  }
0x71: {  	_ =	shalt  }
0x72: {  	_ =	shalt  }
0x73: {  	_ =	shalt  }
0x74: {  	_ =	shalt  }
0x75: {  	_ =	shalt  }
0x76: {  	_ =	shalt  }
0x77: {  	_ =	shalt  }
0x78: {  	_ =	shalt  }
0x79: {  	_ =	shalt  }
0x7a: {  	_ =	shalt  }
0x7b: {  	_ =	shalt  }
0x7c: {  	_ =	shalt  }
0x7d: {  	_ =	shalt  }
0x7e: {  	_ =	shalt  }
0x7f: {  	_ =	shalt  }
0x80: {  	_ =	shalt  }
0x81: {  	_ =	shalt  }
0x82: {  	_ =	shalt  }
0x83: {  	_ =	shalt  }
0x84: {  	_ =	shalt  }
0x85: {  	_ =	shalt  }
0x86: {  	_ =	shalt  }
0x87: {  	_ =	shalt  }
.Lfunc_end0:
.L_simem_size_0:
called_computation_lowered:
.L_overlay_start_0:
0x88: {  	s2 =	sld [smem:$0x3FD9]  }
0x89: {  	s3 =	sld [smem:$0x3FFE];
	_ =	sdelay $0x1  }
0x8a: {  	s1 =	srdreg.scid  }
0x8b: {  	s0 =	sand.u32 $0x1, s1  }
0x8c: {  	s18 =	sshll.u32 s0, $0xA;
	s2 =	sadd.s32 s3, s2  }
0x8d: {  	s2 =	sadd.s32 s2, s18  }
0x8e: {  	[smem:$0x3FC6] =	sst s2  }
0x8f: {  	_ = 	snop  }
0x90: {  	s2 =	sld [smem:$0x3FC9]  }
0x91: {  	s19 =	sld [smem:$0x3FC8]  }
0x92: {  	s4 =	sld [smem:$0x3FD0];
	(tm) =	ssettm $0x1  }
0x93: {  	s5 =	sld [smem:$0x3FFB];
	_ =	sdelay $0x3  }
0x94: {  	_ =	strace s5  }
0x95: {  	s5 =	sld [smem:$0x3FFC];
	_ =	sdelay $0x3  }
0x96: {  	_ =	strace s5  }
0x97: {  	s5 =	sld [smem:$0x3FFD];
	_ =	sdelay $0x3  }
0x98: {  	_ =	strace s5  }
0x99: {  	_ =	strace $0x8FFFFFFF  }
0x9a: {  	s20 =	sld [smem:$0x3FDB];
	_ =	sdelay $0x1  }
0x9b: {  	s6 =	simm.s32 $_scs_section_size  }
0x9c: {  	s7 =	simm.s32 $_size__tile_overlayer_lowered;
	s8 =	simm.s32 $_tile_overlayer_lowered  }
0x9d: {  	s23 =	simm.s32 $0x1BFF;
	s22 =	sshll.u32 s8, $0x1;
	s5 =	sadd.s32 s6, s20  }
0x9e: {  	s9 =	simm.s32 $0x0;
	s21 =	sshll.u32 s7, $0x1;
	s7 =	sadd.s32 s22, s5  }
0x9f: {  	[timem:s9], [sflag:s23] =	dma.local [hbm:s7], s21  }
0xa0: {  	_ =	swait.ge [sflag:s23], s21  }
0xa1: {  	s6 =	ssub.s32 $0x0, s21;
	[sflag:s23] =	ssyncset.done $0x0  }
0xa2: {  	[sflag:s23] =	ssyncadd.s32 s6;
	_ =	sdelay $0x1  }
0xa3: {  	s24 =	simm.s32 $0x1B8B  }
0xa4: {  	_ =	swait.ge [sflag:s24], $0x1  }
0xa5: {  	[sflag:s24] =	ssyncset.done $0x0  }
0xa6: {  	s25 =	simm.s32 $0x1B8E;
	[sflag:s24] =	ssyncadd.s32 $0xFFFFFFFF  }
0xa7: {  	s26 =	simm.s32 $execute0_lowered;
	[smem:$0x3FD2] =	sst s25  }
0xa8: {  	s6 =	sshll.u32 s26, $0x1;
	_ =	strace $0x80000046;
	[dreg:$0x1] =	wrdreg $0xFFFFFFFF  }
0xa9: {  	s28 =	simm.s32 $_size_execute0_lowered;
	s5 =	sadd.s32 s5, s6;
	[dreg:$0x0] =	wrdreg $0x0  }
0xaa: {  	s6 =	sshll.u32 s28, $0x1;
	[dreg:$0x2] =	wrdreg s5  }
0xab: {  	[dreg:$0x3] =	wrdreg s6  }
0xac: {  	[dreg:$0x4] =	wrdreg $0xC0  }
0xad: {  	_ =	task [dreg:s9], $0x5FFFF  }
0xae: {  	[dreg:$0x1] =	wrdreg $0xFFFFFFFF  }
0xaf: {  	[dreg:$0x0] =	wrdreg $0x60  }
0xb0: {  	[dreg:$0x2] =	wrdreg s2  }
0xb1: {  	[dreg:$0x3] =	wrdreg s19  }
0xb2: {  	[dreg:$0x4] =	wrdreg s4  }
0xb3: {  	[dreg:$0x5] =	wrdreg $0x126000  }
0xb4: {  	[dreg:$0x6] =	wrdreg $0x9  }
0xb5: {  	_ =	task.clear_ibuf [dreg:s9], $0x7FFFF;
	_ =	strace $0x90000046  }
0xb6: {  	s29 =	simm.s32 $0x9;
	_ =	strace $0x80000048  }
0xb7: {  	_ =	swait.ge [sflag:s29], $0x1  }
0xb8: {  	[sflag:s29] =	ssyncadd.s32 $0xFFFFFFFF  }
0xb9: {  	_ =	strace $0x90000048  }
0xba: {  	_ =	sfence  }
0xbb: {  	s30 =	sld [smem:$0x0];
	_ =	sdelay $0x2  }
0xbc: {  	s31 =	sshll.u32 s1, $0xD;
	s1 =	sshrl.u32 s1, $0x2  }
0xbd: {  	s3 =	sand.u32 $0x4000, s31;
	s1 =	sadd.s32 s1, s30  }
0xbe: {  	s0 =	sor.u32 s3, s0;
	s1 =	sshll.u32 s1, $0x11  }
0xbf: {  	s0 =	sor.u32 s1, s0  }
0xc0: {  	s0 =	sadd.s32 $0x8F2B, s0  }
0xc1: {  	[sflag:s0] =	ssyncadd.remote.s32 $0x1  }
0xc2: {  	_ =	sfence.sel $0xFFFF  }
0xc3: {  	[dreg:$0x0] =	wrdreg $0xFFFFFFFF;
	(pc) =	sbr.abs _section_cstart, $3  }
0xc4: {  	[dreg:$0x1] =	wrdreg $0xFFFFFFFF  }
0xc5: {  	_ =	task.clear_ibuf [dreg:s9], $0x2FFFF;
	_ =	strace $0x9FFFFFFF  }
0xc6: {  	(tm) =	ssettm $0x7FFFFFFF  }
0xc7: {  	_ =	shalt  }
tec
execute0_lowered:
.L_overlay_start_1:
0x0: {  	(tag) =	ssettag $0x1  }
0x1: {  	s1 =	rddreg [dreg:$0x0]  }
0x2: {  	s0 =	rddreg [dreg:$0x1]  }
0x3: {  	s2 =	rddreg [dreg:$0x2]  }
0x4: {  	s3 =	rddreg [dreg:$0x3];
	s5 =	srdreg.scid;
	s4 =	simm.s32 $0x0  }
0x5: {  	s13 =	stileid.u32;
	s28 =	simm.s32 $0x3;
	s29 =	simm.s32 $0x4  }
0x6: {  	s30 =	simm.s32 $0x5;
	s31 =	simm.s32 $0x6;
	s5 =	sand.u32 $0x1, s5  }
0x7: {  	[smem:$0x7FF] =	sst s4;
	s7 =	smul.u32 $0x220000, s13;
	s17 =	sshll.u32 s13, $0xA  }
0x8: {  	s10 =	smul.u32 $0x440, s13;
	s11 =	sshll.u32 s13, $0xB;
	p0 =	sgt.u32 s13, $0xB  }
0x9: {  	s6 =	ssub.s32 $0x2, s5;
	_ =	strace $0x80000047;
	s9 =	sshll.u32 s5, $0xA  }
0xa: {  	s5 =	sadd.s32 s17, s3;
	s17 =	simm.s32 $0x8;
	s8 =	sshrl.u32 s6, $0x1  }
0xb: {  	s7 =	sor.u32 s9, s7;
	s9 =	sor.u32 s9, s11;
	s0 =	sadd.s32 s0, s10  }
0xc: {  	s8 =	ssub.s32 s6, s8;
	s18 =	sshrl.u32 s7, $0x3;
	[dreg:$0x6] =	wrdreg s0  }
0xd: {  	s20 =	sshrl.u32 s9, $0x3;
	s23 =	sadd.s32 $0x38000, s7;
	s24 =	sadd.s32 $0x30000, s7  }
0xe: {  	s25 =	sadd.s32 $0x28000, s7;
	s16 =	sadd.s32 $0x20000, s7;
	s6 =	sadd.s32 s1, s18  }
0xf: {  	s0 =	sadd.s32 s2, s20;
	s22 =	smax.u32 s8, $0x1;
	s2 =	sshrl.u32 s24, $0x3  }
0x10: {  	s26 =	sshrl.u32 s25, $0x3;
	s20 =	simm.s32 $0x800;
	s24 =	simm.s32 $0x1  }
0x11: {  	s25 =	simm.s32 $0x80;
	s19 =	sadd.s32 $0x1000, s6;
	[dreg:$0x5] =	wrdreg s6  }
0x12: {  	s21 =	sadd.s32 $0x2000, s6;
	s6 =	sadd.s32 $0x3000, s6;
	[dreg:$0xa] =	wrdreg s0  }
0x13: {  	[dreg:$0xb] =	wrdreg s22;
	s0 =	sshrl.u32 s23, $0x3;
	s14 =	sadd.s32 s2, s1  }
0x14: {  	s15 =	sadd.s32 s26, s1;
	s22 =	simm.s32 $0x8000;
	[dreg:$0x7] =	wrdreg s19  }
0x15: {  	s23 =	simm.s32 $0xC000;
	s26 =	simm.s32 $0x2;
	[dreg:$0x8] =	wrdreg s21  }
0x16: {  	s2 =	simm.s32 $0x0;
	[dreg:$0x9] =	wrdreg s6;
	s12 =	sadd.s32 s0, s1  }
0x17: {  	v0 =	vimm.f32 $0.0e+00;
	s19 =	simm.s32 $0x400;
	s21 =	simm.s32 $0x4000;
	s0 =	simm.s32 $0x7  }
.LBB2_1:
0x18: {  	[tilespmem:$0x12200] =	vst v0  }
0x19: {  	[tilespmem:$0x12210] =	vst v0  }
0x1a: {  	[tilespmem:$0x12220] =	vst v0  }
0x1b: {  	[tilespmem:$0x12230] =	vst v0  }
0x1c: {  	[tilespmem:$0x12240] =	vst v0  }
0x1d: {  	[tilespmem:$0x12250] =	vst v0  }
0x1e: {  	[tilespmem:$0x12260] =	vst v0  }
0x1f: {  	[tilespmem:$0x12270] =	vst v0  }
0x20: {  	[tilespmem:$0x12280] =	vst v0  }
0x21: {  	[tilespmem:$0x12290] =	vst v0  }
0x22: {  	[tilespmem:$0x122A0] =	vst v0  }
0x23: {  	[tilespmem:$0x122B0] =	vst v0  }
0x24: {  	[tilespmem:$0x122C0] =	vst v0  }
0x25: {  	[tilespmem:$0x122D0] =	vst v0  }
0x26: {  	[tilespmem:$0x122E0] =	vst v0  }
0x27: {  	[tilespmem:$0x122F0] =	vst v0  }
0x28: {  	[tilespmem:$0x12300] =	vst v0  }
0x29: {  	[tilespmem:$0x12310] =	vst v0  }
0x2a: {  	[tilespmem:$0x12320] =	vst v0  }
0x2b: {  	[tilespmem:$0x12330] =	vst v0  }
0x2c: {  	[tilespmem:$0x12340] =	vst v0  }
0x2d: {  	[tilespmem:$0x12350] =	vst v0  }
0x2e: {  	[tilespmem:$0x12360] =	vst v0  }
0x2f: {  	[tilespmem:$0x12370] =	vst v0  }
0x30: {  	[tilespmem:$0x12380] =	vst v0  }
0x31: {  	[tilespmem:$0x12390] =	vst v0  }
0x32: {  	[tilespmem:$0x123A0] =	vst v0  }
0x33: {  	[tilespmem:$0x123B0] =	vst v0  }
0x34: {  	[tilespmem:$0x123C0] =	vst v0  }
0x35: {  	[tilespmem:$0x123D0] =	vst v0  }
0x36: {  	[tilespmem:$0x123E0] =	vst v0  }
0x37: {  	[tilespmem:$0x123F0] =	vst v0  }
0x38: {  	[tilespmem:$0x12400] =	vst v0  }
0x39: {  	[tilespmem:$0x12410] =	vst v0  }
0x3a: {  	[tilespmem:$0x12420] =	vst v0  }
0x3b: {  	[tilespmem:$0x12430] =	vst v0  }
0x3c: {  	[tilespmem:$0x12440] =	vst v0  }
0x3d: {  	[tilespmem:$0x12450] =	vst v0  }
0x3e: {  	[tilespmem:$0x12460] =	vst v0  }
0x3f: {  	[tilespmem:$0x12470] =	vst v0  }
0x40: {  	[tilespmem:$0x12480] =	vst v0  }
0x41: {  	[tilespmem:$0x12490] =	vst v0  }
0x42: {  	[tilespmem:$0x124A0] =	vst v0  }
0x43: {  	[tilespmem:$0x124B0] =	vst v0  }
0x44: {  	[tilespmem:$0x124C0] =	vst v0  }
0x45: {  	[tilespmem:$0x124D0] =	vst v0  }
0x46: {  	[tilespmem:$0x124E0] =	vst v0  }
0x47: {  	[tilespmem:$0x124F0] =	vst v0  }
0x48: {  	[tilespmem:$0x12500] =	vst v0  }
0x49: {  	[tilespmem:$0x12510] =	vst v0  }
0x4a: {  	[tilespmem:$0x12520] =	vst v0  }
0x4b: {  	[tilespmem:$0x12530] =	vst v0  }
0x4c: {  	[tilespmem:$0x12540] =	vst v0  }
0x4d: {  	[tilespmem:$0x12550] =	vst v0  }
0x4e: {  	[tilespmem:$0x12560] =	vst v0  }
0x4f: {  	[tilespmem:$0x12570] =	vst v0  }
0x50: {  	[tilespmem:$0x12580] =	vst v0  }
0x51: {  	[tilespmem:$0x12590] =	vst v0  }
0x52: {  	[tilespmem:$0x125A0] =	vst v0  }
0x53: {  	[tilespmem:$0x125B0] =	vst v0  }
0x54: {  	[tilespmem:$0x125C0] =	vst v0  }
0x55: {  	[tilespmem:$0x125D0] =	vst v0  }
0x56: {  	[tilespmem:$0x125E0] =	vst v0  }
0x57: {  	[tilespmem:$0x125F0] =	vst v0;
	s7 =	simm.s32 @!p0 $0x12200  }
0x58: {  	[spmem:s5] =	stream.linear.scatter @!p0 [tilespmem:s7], [sflag:$0xA], $0x400, $0x38;
	[tilespmem:$0x12900] =	vst v63  }
0x59: {  	s7 =	simm.s32 @!p0 $0xA  }
0x5a: {  	_ =	swait.ge @!p0 [sflag:s7], $0x400  }
0x5b: {  	[sflag:s7] =	ssyncset.done @!p0 $0x0  }
0x5c: {  	s13 =	simm.s32 $0x10000;
	s6 =	rddreg [dreg:$0x6];
	[sflag:s7] =	ssyncadd.s32 @!p0 $0xFFFFFC00  }
0x5d: {  	[tilespmem:s13], [sflag:$0x9] =	stream.linear.gather [hbm4b:s6+s4], $0x2200, $0x38;
	[tilespmem:$0x12900] =	vst v63  }
0x5e: {  	s18 =	simm.s32 $0x9;
	[bflag:$0x0] =	sbarrier.arrive $0xFFFF  }
0x5f: {  	_ =	swait.ge [sflag:s18], $0x2200  }
0x60: {  	[sflag:s18] =	ssyncset.done $0x0  }
0x61: {  	s8 =	simm.s32 $0x40;
	s7 =	simm.s32 $0x0;
	[sflag:s18] =	ssyncadd.s32 $0xFFFFDE00  }
.LBB2_2:
0x62: {  	p1 =	sne.s32 s8, $0x87C0;
	v1 =	vld [tilespmem:s7+$0x10000];
	_ =	sdelay $0x3  }
.Ltmp0:
0x63: {  	(pc) =	sbr.rel @p1 .LBB2_2-.Ltmp0, $4  }
0x64: {  	v2 =	vadd.s32 $0xFFFFFFA0, v1  }
0x65: {  	v1 =	vadd.s32 $0xFFFFFFFD, v1;
	vm0 =	vlt.u32 v2, $0xFFFFFFA3  }
0x66: {  	v1 =	vsel vm0, $0x5D, v1  }
0x67: {  	[tilespmem:s7+$0x10000] =	vst v1;
	s7 =	sshra.s32 s8, $0x2;
	s8 =	sadd.s32 $0x40, s8  }
0x68: {  	v1 =	vld [tilespmem:s7+$0x10000];
	_ =	sdelay $0x4  }
0x69: {  	v2 =	vadd.s32 $0xFFFFFFA0, v1  }
0x6a: {  	v1 =	vadd.s32 $0xFFFFFFFD, v1;
	vm0 =	vlt.u32 v2, $0xFFFFFFA3  }
0x6b: {  	v1 =	vsel vm0, $0x5D, v1  }
0x6c: {  	s13 =	simm.s32 $0x0;
	s6 =	rddreg [dreg:$0x5];
	[tilespmem:s7+$0x10000] =	vst v1  }
0x6d: {  	[tilespmem:s13], [sflag:$0x1] =	stream.strided.gather [hbm4b:s6+s19], $0x4000, s20, s19, $0x38;
	[tilespmem:$0x12900] =	vst v63  }
0x6e: {  	s18 =	rddreg [dreg:$0x7]  }
0x6f: {  	[tilespmem:s21], [sflag:$0x2] =	stream.strided.gather [hbm4b:s18+s19], $0x4000, s20, s19, $0x38;
	[tilespmem:$0x12900] =	vst v63  }
0x70: {  	s7 =	rddreg [dreg:$0x8]  }
0x71: {  	[tilespmem:s22], [sflag:$0x3] =	stream.strided.gather [hbm4b:s7+s19], $0x4000, s20, s19, $0x38;
	[tilespmem:$0x12900] =	vst v63  }
0x72: {  	s8 =	rddreg [dreg:$0x9]  }
0x73: {  	[tilespmem:s23], [sflag:$0x4] =	stream.strided.gather [hbm4b:s8+s19], $0x4000, s20, s19, $0x38;
	[tilespmem:$0x12900] =	vst v63  }
0x74: {  	_ =	swait.ge [sflag:s24], $0x4000  }
0x75: {  	[sflag:s24] =	ssyncset.done $0x0  }
0x76: {  	s9 =	simm.s32 $0x10000;
	[sflag:s24] =	ssyncadd.s32 $0xFFFFC000  }
0x77: {  	[spmem:s3] =	stream.indirect.scatter.add.f32 [tilespmem:s4], [sflag:$0x5], $0x80, s9, s25, $0xb8;
	[tilespmem:$0x12900] =	vst v63  }
0x78: {  	_ =	swait.ge [sflag:s26], $0x4000  }
0x79: {  	[sflag:s26] =	ssyncset.done $0x0  }
0x7a: {  	s10 =	simm.s32 $0x10080;
	[sflag:s26] =	ssyncadd.s32 $0xFFFFC000  }
0x7b: {  	[spmem:s3] =	stream.indirect.scatter.add.f32 [tilespmem:s21], [sflag:$0x6], $0x80, s10, s25, $0xb8;
	[tilespmem:$0x12900] =	vst v63  }
0x7c: {  	_ =	swait.ge [sflag:s28], $0x4000  }
0x7d: {  	[sflag:s28] =	ssyncset.done $0x0  }
0x7e: {  	s11 =	simm.s32 $0x10100;
	[sflag:s28] =	ssyncadd.s32 $0xFFFFC000  }
0x7f: {  	[spmem:s3] =	stream.indirect.scatter.add.f32 [tilespmem:s22], [sflag:$0x7], $0x80, s11, s25, $0xb8;
	[tilespmem:$0x12900] =	vst v63  }
0x80: {  	_ =	swait.ge [sflag:s29], $0x4000  }
0x81: {  	[sflag:s29] =	ssyncset.done $0x0  }
0x82: {  	s13 =	simm.s32 $0x10180;
	[sflag:s29] =	ssyncadd.s32 $0xFFFFC000  }
0x83: {  	[spmem:s3] =	stream.indirect.scatter.add.f32 [tilespmem:s23], [sflag:$0x8], $0x80, s13, s25, $0xb8;
	[tilespmem:$0x12900] =	vst v63  }
0x84: {  	_ =	swait.ge [sflag:s30], $0x4000  }
0x85: {  	s18 =	sshrl.u32 s16, $0x3;
	[sflag:s30] =	ssyncset.done $0x0  }
0x86: {  	s7 =	sadd.s32 s1, s18;
	[sflag:s30] =	ssyncadd.s32 $0xFFFFC000  }
0x87: {  	[tilespmem:s4], [sflag:$0x1] =	stream.strided.gather [hbm4b:s7+s19], $0x4000, s20, s19, $0x38;
	[tilespmem:$0x12900] =	vst v63  }
0x88: {  	_ =	swait.ge [sflag:s31], $0x4000  }
0x89: {  	[sflag:s31] =	ssyncset.done $0x0  }
0x8a: {  	[sflag:s31] =	ssyncadd.s32 $0xFFFFC000  }
0x8b: {  	[tilespmem:s21], [sflag:$0x2] =	stream.strided.gather [hbm4b:s15+s19], $0x4000, s20, s19, $0x38;
	[tilespmem:$0x12900] =	vst v63  }
0x8c: {  	_ =	swait.ge [sflag:s0], $0x4000  }
0x8d: {  	[sflag:s0] =	ssyncset.done $0x0  }
0x8e: {  	[sflag:s0] =	ssyncadd.s32 $0xFFFFC000  }
0x8f: {  	[tilespmem:s22], [sflag:$0x3] =	stream.strided.gather [hbm4b:s14+s19], $0x4000, s20, s19, $0x38;
	[tilespmem:$0x12900] =	vst v63  }
0x90: {  	s8 =	sadd.s32 $0x4000, s15;
	s9 =	sadd.s32 $0x20000, s16;
	_ =	swait.ge [sflag:s17], $0x4000  }
0x91: {  	s10 =	sadd.s32 $0x4000, s12;
	s11 =	sadd.s32 $0x4000, s14;
	[sflag:s17] =	ssyncset.done $0x0  }
0x92: {  	s13 =	smov.u32 s12;
	s7 =	simm.s32 $0x800;
	[sflag:s17] =	ssyncadd.s32 $0xFFFFC000  }
.LBB2_4:
0x93: {  	[tilespmem:s23], [sflag:$0x4] =	stream.strided.gather [hbm4b:s13+s19], $0x4000, s20, s19, $0x38;
	[tilespmem:$0x12900] =	vst v63  }
0x94: {  	s6 =	smov.u32 s7;
	s13 =	smov.u32 s10  }
0x95: {  	p1 =	sne.s32 s7, $0x7800;
	s7 =	sadd.s32 $0x800, s7;
	_ =	swait.ge [sflag:s24], $0x4000  }
0x96: {  	s6 =	sshra.s32 s6, $0x2;
	[sflag:s24] =	ssyncset.done $0x0  }
0x97: {  	s18 =	sadd.s32 $0x10000, s6;
	[sflag:s24] =	ssyncadd.s32 $0xFFFFC000  }
0x98: {  	[spmem:s3] =	stream.indirect.scatter.add.f32 [tilespmem:s4], [sflag:$0x5], $0x80, s18, s25, $0xb8;
	[tilespmem:$0x12900] =	vst v63  }
0x99: {  	_ =	swait.ge [sflag:s26], $0x4000  }
0x9a: {  	[sflag:s26] =	ssyncset.done $0x0  }
0x9b: {  	s18 =	sadd.s32 $0x10080, s6;
	[sflag:s26] =	ssyncadd.s32 $0xFFFFC000  }
0x9c: {  	[spmem:s3] =	stream.indirect.scatter.add.f32 [tilespmem:s21], [sflag:$0x6], $0x80, s18, s25, $0xb8;
	[tilespmem:$0x12900] =	vst v63  }
0x9d: {  	_ =	swait.ge [sflag:s28], $0x4000  }
0x9e: {  	[sflag:s28] =	ssyncset.done $0x0  }
0x9f: {  	s18 =	sadd.s32 $0x10100, s6;
	[sflag:s28] =	ssyncadd.s32 $0xFFFFC000  }
0xa0: {  	[spmem:s3] =	stream.indirect.scatter.add.f32 [tilespmem:s22], [sflag:$0x7], $0x80, s18, s25, $0xb8;
	[tilespmem:$0x12900] =	vst v63  }
0xa1: {  	_ =	swait.ge [sflag:s29], $0x4000  }
0xa2: {  	[sflag:s29] =	ssyncset.done $0x0  }
0xa3: {  	s6 =	sadd.s32 $0x10180, s6;
	[sflag:s29] =	ssyncadd.s32 $0xFFFFC000  }
0xa4: {  	[spmem:s3] =	stream.indirect.scatter.add.f32 [tilespmem:s23], [sflag:$0x8], $0x80, s6, s25, $0xb8;
	[tilespmem:$0x12900] =	vst v63  }
0xa5: {  	_ =	swait.ge [sflag:s30], $0x4000  }
0xa6: {  	s6 =	sshrl.u32 s9, $0x3;
	[sflag:s30] =	ssyncset.done $0x0  }
0xa7: {  	s6 =	sadd.s32 s1, s6;
	[sflag:s30] =	ssyncadd.s32 $0xFFFFC000  }
0xa8: {  	[tilespmem:s4], [sflag:$0x1] =	stream.strided.gather [hbm4b:s6+s19], $0x4000, s20, s19, $0x38;
	[tilespmem:$0x12900] =	vst v63  }
0xa9: {  	_ =	swait.ge [sflag:s31], $0x4000  }
0xaa: {  	[sflag:s31] =	ssyncset.done $0x0  }
0xab: {  	[sflag:s31] =	ssyncadd.s32 $0xFFFFC000  }
0xac: {  	[tilespmem:s21], [sflag:$0x2] =	stream.strided.gather [hbm4b:s8+s19], $0x4000, s20, s19, $0x38;
	[tilespmem:$0x12900] =	vst v63  }
0xad: {  	_ =	swait.ge [sflag:s0], $0x4000  }
0xae: {  	[sflag:s0] =	ssyncset.done $0x0  }
.Ltmp1:
0xaf: {  	[sflag:s0] =	ssyncadd.s32 $0xFFFFC000;
	(pc) =	sbr.rel @p1 .LBB2_4-.Ltmp1, $4  }
0xb0: {  	[tilespmem:s22], [sflag:$0x3] =	stream.strided.gather [hbm4b:s11+s19], $0x4000, s20, s19, $0x38;
	[tilespmem:$0x12900] =	vst v63  }
0xb1: {  	_ =	swait.ge [sflag:s17], $0x4000  }
0xb2: {  	s9 =	sadd.s32 $0x20000, s9;
	s8 =	sadd.s32 $0x4000, s8;
	[sflag:s17] =	ssyncset.done $0x0  }
0xb3: {  	s10 =	sadd.s32 $0x4000, s10;
	s11 =	sadd.s32 $0x4000, s11;
	[sflag:s17] =	ssyncadd.s32 $0xFFFFC000  }
0xb4: {  	[tilespmem:s23], [sflag:$0x4] =	stream.strided.gather [hbm4b:s13+s19], $0x4000, s20, s19, $0x38;
	[tilespmem:$0x12900] =	vst v63  }
0xb5: {  	_ =	swait.ge [sflag:s24], $0x4000  }
0xb6: {  	[sflag:s24] =	ssyncset.done $0x0  }
0xb7: {  	s6 =	simm.s32 $0x12000;
	[sflag:s24] =	ssyncadd.s32 $0xFFFFC000  }
0xb8: {  	[spmem:s3] =	stream.indirect.scatter.add.f32 [tilespmem:s4], [sflag:$0x5], $0x80, s6, s25, $0xb8;
	[tilespmem:$0x12900] =	vst v63  }
0xb9: {  	_ =	swait.ge [sflag:s26], $0x4000  }
0xba: {  	[sflag:s26] =	ssyncset.done $0x0  }
0xbb: {  	s10 =	simm.s32 $0x12080;
	[sflag:s26] =	ssyncadd.s32 $0xFFFFC000  }
0xbc: {  	[spmem:s3] =	stream.indirect.scatter.add.f32 [tilespmem:s21], [sflag:$0x6], $0x80, s10, s25, $0xb8;
	[tilespmem:$0x12900] =	vst v63  }
0xbd: {  	_ =	swait.ge [sflag:s28], $0x4000  }
0xbe: {  	[sflag:s28] =	ssyncset.done $0x0  }
0xbf: {  	s11 =	simm.s32 $0x12100;
	[sflag:s28] =	ssyncadd.s32 $0xFFFFC000  }
0xc0: {  	[spmem:s3] =	stream.indirect.scatter.add.f32 [tilespmem:s22], [sflag:$0x7], $0x80, s11, s25, $0xb8;
	[tilespmem:$0x12900] =	vst v63  }
0xc1: {  	_ =	swait.ge [sflag:s29], $0x4000  }
0xc2: {  	[sflag:s29] =	ssyncset.done $0x0  }
0xc3: {  	s13 =	simm.s32 $0x12180;
	[sflag:s29] =	ssyncadd.s32 $0xFFFFC000  }
0xc4: {  	[spmem:s3] =	stream.indirect.scatter.add.f32 [tilespmem:s23], [sflag:$0x8], $0x80, s13, s25, $0xb8;
	[tilespmem:$0x12900] =	vst v63  }
0xc5: {  	_ =	swait.ge [sflag:s30], $0x4000  }
0xc6: {  	[sflag:s30] =	ssyncset.done $0x0  }
0xc7: {  	[sflag:s30] =	ssyncadd.s32 $0xFFFFC000  }
0xc8: {  	_ =	swait.ge [sflag:s31], $0x4000  }
0xc9: {  	[sflag:s31] =	ssyncset.done $0x0  }
0xca: {  	[sflag:s31] =	ssyncadd.s32 $0xFFFFC000  }
0xcb: {  	_ =	swait.ge [sflag:s0], $0x4000  }
0xcc: {  	[sflag:s0] =	ssyncset.done $0x0  }
0xcd: {  	[sflag:s0] =	ssyncadd.s32 $0xFFFFC000  }
0xce: {  	_ =	swait.ge [sflag:s17], $0x4000  }
0xcf: {  	[sflag:s17] =	ssyncset.done $0x0  }
0xd0: {  	s6 =	stileid.u32;
	[sflag:s17] =	ssyncadd.s32 $0xFFFFC000  }
0xd1: {  	s6 =	sshll.u32 @!p0 s6, $0x6;
	[bflag:$0x0] =	sbarrier.arrive $0xFFFF  }
0xd2: {  	s7 =	sshrl.u32 @!p0 s5, $0x3;
	s6 =	sor.u32 @!p0 $0x1C0A, s6;
	s8 =	rddreg [dreg:$0xa]  }
0xd3: {  	[hbm:s8], [sflag:s6] =	dma.local @!p0 [spmem:s7], $0x80  }
0xd4: {  	s6 =	simm.s32 @!p0 $0xA  }
0xd5: {  	_ =	swait.ge @!p0 [sflag:s6], $0x80  }
0xd6: {  	s2 =	sadd.s32 $0x1, s2;
	s18 =	rddreg [dreg:$0xb]  }
0xd7: {  	p1 =	sne.s32 s2, s18  }
.Ltmp2:
0xd8: {  	_ = 	snop;
	(pc) =	sbr.rel @p1 .LBB2_1-.Ltmp2, $3  }
0xd9: {  	_ =	sdelay $0x1  }
0xda: {  	[sflag:s6] =	ssyncset.done @!p0 $0x0  }
0xdb: {  	[sflag:s6] =	ssyncadd.s32 @!p0 $0xFFFFFF80  }
0xdc: {  	_ =	sfence.sel $0x180000  }
0xdd: {  	[bflag:$0x0] =	sbarrier.arrive $0xFFFF  }
0xde: {  	_ =	strace $0x90000047  }
0xdf: {  	s0 =	stileid.u32;
	[bflag:$0x2] =	sbarrier.arrive $0xFFFF  }
0xe0: {  	p0 =	sne.s32 s0, $0x0;
	s0 =	rddreg [dreg:$0x4]  }
0xe1: {  	s0 =	sadd.s32 @!p0 $0x100000, s0  }
0xe2: {  	[sflag:s0] =	ssyncadd.tile.s32 @!p0 $0x1;
	_ =	shalt  }
.Lfunc_end2:
_tile_overlayer_lowered:
.L_overlay_start_2:
0xe3: {  	(tag) =	ssettag $0x2  }
0xe4: {  	s0 =	rddreg [dreg:$0x0];
	s2 =	stileid.u32  }
0xe5: {  	s1 =	rddreg [dreg:$0x1];
	p0 =	sne.s32 s2, $0x0  }
0xe6: {  	s3 =	rddreg [dreg:$0x2];
	[bflag:$0x3] =	sbarrier.arrive $0xFFFF;
	s2 =	simm.s32 @!p0 $0x1C0A  }
0xe7: {  	[timem:s3], [sflag:s2] =	dma.local @!p0 [hbm:s0], s1  }
0xe8: {  	s0 =	simm.s32 @!p0 $0xA  }
0xe9: {  	_ =	swait.ge @!p0 [sflag:s0], s1  }
0xea: {  	s1 =	ssub.s32 @!p0 $0x0, s1;
	[sflag:s0] =	ssyncset.done @!p0 $0x0  }
0xeb: {  	[sflag:s0] =	ssyncadd.s32 @!p0 s1  }
0xec: {  	[bflag:$0x3] =	sbarrier.arrive $0xFFFF  }
0xed: {  	_ =	shalt  }

</sc_bundles>
